<compile_context>
chip_gen: v7x
topology: tpu7x:2x2x1
jax: 0.10.2.dev20260603
libtpu: 0.0.44.dev20260713+nightly
codegen_flags: <defaults>
</compile_context>

<pallas_src>
import functools

import jax
import jax.numpy as jnp
from jax import lax
from jax.experimental import pallas as pl
from jax.experimental.pallas import tpu as pltpu
from jax.experimental.pallas import tpu_sc as plsc

_INFO = plsc.get_sparse_core_info()
_NC = _INFO.num_cores
_NS = _INFO.num_subcores
_NW = _NC * _NS
_LANES = _INFO.num_lanes
_UNROLL = 16


def _make_gather(d: int, vocab: int, n_idx: int):
    rows_per_w = d // _NW
    n_groups = n_idx // (_LANES * _UNROLL)
    mesh = plsc.VectorSubcoreMesh(core_axis_name="c", subcore_axis_name="s")

    @functools.partial(
        pl.kernel,
        out_type=jax.ShapeDtypeStruct((2, d, n_idx), jnp.float32),
        mesh=mesh,
        scratch_types=[
            pltpu.VMEM((vocab,), jnp.float32),
            pltpu.VMEM((n_idx,), jnp.int32),
            pltpu.VMEM((n_idx,), jnp.int32),
            pltpu.VMEM((n_idx,), jnp.float32),
            pltpu.SemaphoreType.DMA,
            pltpu.SemaphoreType.DMA,
        ],
        compiler_params=pltpu.CompilerParams(needs_layout_passes=False),
    )
    def gather_kernel(idx_text_hbm, idx_tags_hbm, table_t_hbm, out_hbm,
                      row_v, idx_text_v, idx_tags_v, out_v,
                      sem_row, sem_idx):
        wid = lax.axis_index("s") * _NC + lax.axis_index("c")
        h_text = pltpu.async_copy(idx_text_hbm, idx_text_v, sem_idx)
        h_tags = pltpu.async_copy(idx_tags_hbm, idx_tags_v, sem_idx)
        h_row = pltpu.async_copy(table_t_hbm.at[wid * rows_per_w], row_v,
                                 sem_row)
        h_text.wait()
        h_tags.wait()

        for r in range(rows_per_w):
            comp = wid * rows_per_w + r
            h_row.wait()
            for t, idx_v in ((0, idx_text_v), (1, idx_tags_v)):

                def body(g, _, idx_v=idx_v):
                    for j in range(_UNROLL):
                        off = (g * _UNROLL + j) * _LANES
                        iv = idx_v[pl.ds(off, _LANES)]
                        out_v[pl.ds(off, _LANES)] = plsc.load_gather(
                            row_v, [iv])
                    return 0

                lax.fori_loop(0, n_groups, body, 0)
                if t == 1 and r + 1 < rows_per_w:
                    h_row = pltpu.async_copy(
                        table_t_hbm.at[comp + 1], row_v, sem_row)
                pltpu.sync_copy(out_v, out_hbm.at[t, comp])

    return gather_kernel


def kernel(text_tokens, predictions, tag_vocab):
    L = text_tokens.shape[0]
    vocab, d = tag_vocab.shape
    slice_tags = predictions[0, -L:]
    out_t = _make_gather(d, vocab, L)(
        text_tokens.astype(jnp.int32),
        slice_tags.astype(jnp.int32),
        tag_vocab.T,
    )
    return jnp.transpose(out_t, (2, 0, 1))

# --- scband reference (transcript-rebuilt; emitter-appended) ---
"""Pipeline reference for scband-contextualize-41815801594622 (READ-ONLY COPY).

The authoritative reference and input builder live on the scoring server;
editing this copy changes nothing except your own understanding.
"""

import jax, jax.numpy as jnp
import numpy as np


def setup_inputs(seed: int = 0) -> dict:
    key = jax.random.key(seed)
    k1, k2, k3 = jax.random.split(key, 3)
    # token ids standing in for the split text strings
    text_tokens = jax.random.randint(k1, (8192,), 0, 100000)
    # per-position tag-index predictions; original layer only consumes row 0
    predictions = jax.random.randint(k2, (4, 16384), 0, 100000)
    # learned/constant vocab table (string vocab represented as float32 embeddings,
    # sized per init_kwargs vocab_size x embed_dim)
    tag_vocab = jax.random.normal(k3, (100000, 64), dtype=jnp.float32)
    return {"text_tokens": text_tokens, "predictions": predictions, "tag_vocab": tag_vocab}


def reference(text_tokens, predictions, tag_vocab):
    # slice_tags = predictions[0][-len(split(text)):]
    L = text_tokens.shape[0]
    slice_tags = predictions[0, -L:]
    # tf.map_fn(self.lookup, slice_tags) == vectorized gather into the vocab table
    tags_pred = jnp.take(tag_vocab, slice_tags, axis=0)
    # tf.transpose([split(text), tags_pred]) -> pair each text token with its tag;
    # text strings are represented by their vocab-table rows
    text_emb = jnp.take(tag_vocab, text_tokens, axis=0)
    return jnp.stack([text_emb, tags_pred], axis=1)

if __name__ == "__main__":
    import jax
    _d = setup_inputs()
    print(jax.jit(kernel)(*tuple(_d.values())))

</pallas_src>

<mosaic_0001>
#map = affine_map<(d0, d1) -> (0)>
#map1 = affine_map<(d0, d1) -> (0, 0)>
#map2 = affine_map<(d0, d1) -> (0, 0, 0)>
module attributes {stable_mosaic.version = 14 : i64} {
  func.func @gather_kernel(%arg0: i32, %arg1: i32, %arg2: memref<8192xi32, #tpu.memory_space<hbm>>, %arg3: memref<8192xi32, #tpu.memory_space<hbm>>, %arg4: memref<64x100000xf32, #tpu.memory_space<hbm>>, %arg5: memref<2x64x8192xf32, #tpu.memory_space<hbm>>, %arg6: memref<100000xf32, #tpu.memory_space<vmem>>, %arg7: memref<8192xi32, #tpu.memory_space<vmem>>, %arg8: memref<8192xi32, #tpu.memory_space<vmem>>, %arg9: memref<8192xf32, #tpu.memory_space<vmem>>, %arg10: memref<!tpu.dma_semaphore, #tpu.memory_space<semaphore_mem>>, %arg11: memref<!tpu.dma_semaphore, #tpu.memory_space<semaphore_mem>>) attributes {dimension_semantics = [#tpu.dimension_semantics<core_parallel>, #tpu.dimension_semantics<subcore_parallel>], iteration_bounds = array<i64: 2, 16>, scalar_prefetch = 0 : i64, scratch_operands = 6 : i64, tpu.core_type = #tpu.core_type<sc_vector_subcore>, window_params = [{transform_indices = #map}, {transform_indices = #map}, {transform_indices = #map1}, {transform_indices = #map2}]} {
    %mul3A = arith.constant 2 : i32
    %mul3A_0 = arith.muli %arg1, %mul3A : i32
    %add3A = arith.addi %mul3A_0, %arg0 : i32
    tpu.enqueue_dma source(%arg2 : memref<8192xi32, #tpu.memory_space<hbm>>) target(%arg7 : memref<8192xi32, #tpu.memory_space<vmem>>) target_semaphore(%arg11 : memref<!tpu.dma_semaphore, #tpu.memory_space<semaphore_mem>>)
    tpu.enqueue_dma source(%arg3 : memref<8192xi32, #tpu.memory_space<hbm>>) target(%arg8 : memref<8192xi32, #tpu.memory_space<vmem>>) target_semaphore(%arg11 : memref<!tpu.dma_semaphore, #tpu.memory_space<semaphore_mem>>)
    %mul3A_1 = arith.constant 2 : i32
    %mul3A_2 = arith.muli %add3A, %mul3A_1 : i32
    %dma_start3A = arith.constant 0 : i32
    %dma_start3A_3 = tpu.memref_slice %arg4[%mul3A_2, %dma_start3A] : memref<64x100000xf32, #tpu.memory_space<hbm>> -> memref<1x100000xf32, #tpu.memory_space<hbm>>
    %dma_start3A_4 = tpu.memref_squeeze %dma_start3A_3 : memref<1x100000xf32, #tpu.memory_space<hbm>> -> memref<100000xf32, #tpu.memory_space<hbm>>
    %dma_start3A_5 = arith.constant 0 : i32
    %dma_start3A_6 = tpu.memref_slice %arg4[%mul3A_2, %dma_start3A_5] : memref<64x100000xf32, #tpu.memory_space<hbm>> -> memref<1x100000xf32, #tpu.memory_space<hbm>>
    %dma_start3A_7 = tpu.memref_squeeze %dma_start3A_6 : memref<1x100000xf32, #tpu.memory_space<hbm>> -> memref<100000xf32, #tpu.memory_space<hbm>>
    tpu.enqueue_dma source(%dma_start3A_7 : memref<100000xf32, #tpu.memory_space<hbm>>) target(%arg6 : memref<100000xf32, #tpu.memory_space<vmem>>) target_semaphore(%arg10 : memref<!tpu.dma_semaphore, #tpu.memory_space<semaphore_mem>>)
    tpu.wait_dma2 semaphore(%arg11 : memref<!tpu.dma_semaphore, #tpu.memory_space<semaphore_mem>>) src(%arg2 : memref<8192xi32, #tpu.memory_space<hbm>>) dst(%arg7 : memref<8192xi32, #tpu.memory_space<vmem>>)
    tpu.wait_dma2 semaphore(%arg11 : memref<!tpu.dma_semaphore, #tpu.memory_space<semaphore_mem>>) src(%arg3 : memref<8192xi32, #tpu.memory_space<hbm>>) dst(%arg8 : memref<8192xi32, #tpu.memory_space<vmem>>)
    %mul3A_8 = arith.constant 2 : i32
    %mul3A_9 = arith.muli %add3A, %mul3A_8 : i32
    %add3A_10 = arith.constant 0 : i32
    %add3A_11 = arith.addi %mul3A_9, %add3A_10 : i32
    %dma_wait3A = arith.constant 0 : i32
    %dma_wait3A_12 = tpu.memref_slice %arg4[%mul3A_2, %dma_wait3A] : memref<64x100000xf32, #tpu.memory_space<hbm>> -> memref<1x100000xf32, #tpu.memory_space<hbm>>
    %dma_wait3A_13 = tpu.memref_squeeze %dma_wait3A_12 : memref<1x100000xf32, #tpu.memory_space<hbm>> -> memref<100000xf32, #tpu.memory_space<hbm>>
    %dma_wait3A_14 = arith.constant 0 : i32
    %dma_wait3A_15 = tpu.memref_slice %arg4[%mul3A_2, %dma_wait3A_14] : memref<64x100000xf32, #tpu.memory_space<hbm>> -> memref<1x100000xf32, #tpu.memory_space<hbm>>
    %dma_wait3A_16 = tpu.memref_squeeze %dma_wait3A_15 : memref<1x100000xf32, #tpu.memory_space<hbm>> -> memref<100000xf32, #tpu.memory_space<hbm>>
    tpu.wait_dma2 semaphore(%arg10 : memref<!tpu.dma_semaphore, #tpu.memory_space<semaphore_mem>>) src(%dma_wait3A_16 : memref<100000xf32, #tpu.memory_space<hbm>>) dst(%arg6 : memref<100000xf32, #tpu.memory_space<vmem>>)
    %scan3A = arith.constant 0 : i32
    %scan3A_17 = arith.constant 0 : i32
    %scan3A_18 = arith.constant 32 : i32
    %scan3A_19 = arith.addi %scan3A_17, %scan3A_18 : i32
    %scan3A_20 = arith.constant 1 : i32
    %scan3A_21 = scf.for %scan3A_65 = %scan3A_17 to %scan3A_19 step %scan3A_20 iter_args(%scan3A_66 = %scan3A) -> (i32)  : i32 {
      %mul3A_67 = arith.constant 16 : i32
      %mul3A_68 = arith.muli %scan3A_65, %mul3A_67 : i32
      %add3A_69 = arith.constant 0 : i32
      %add3A_70 = arith.addi %mul3A_68, %add3A_69 : i32
      %mul3A_71 = arith.constant 16 : i32
      %mul3A_72 = arith.muli %add3A_70, %mul3A_71 : i32
      %get3A = arith.index_cast %mul3A_72 : i32 to index
      %get3A_73 = tpu.vector_load %arg7[%get3A] {strides = array<i32>} : memref<8192xi32, #tpu.memory_space<vmem>>, vector<16xi32>,
      %gather3A = tpu.vector_load_idx %arg6[%get3A_73] : memref<100000xf32, #tpu.memory_space<vmem>>[vector<16xi32>], vector<16xf32>,
      %swap3A = arith.index_cast %mul3A_72 : i32 to index
      %swap3A_74 = tpu.vector_load %arg9[%swap3A] {strides = array<i32>} : memref<8192xf32, #tpu.memory_space<vmem>>, vector<16xf32>,
      tpu.vector_store %arg9[%swap3A], %gather3A {strides = array<i32>} : memref<8192xf32, #tpu.memory_space<vmem>>, vector<16xf32>,
      %mul3A_75 = arith.constant 16 : i32
      %mul3A_76 = arith.muli %scan3A_65, %mul3A_75 : i32
      %add3A_77 = arith.constant 1 : i32
      %add3A_78 = arith.addi %mul3A_76, %add3A_77 : i32
      %mul3A_79 = arith.constant 16 : i32
      %mul3A_80 = arith.muli %add3A_78, %mul3A_79 : i32
      %get3A_81 = arith.index_cast %mul3A_80 : i32 to index
      %get3A_82 = tpu.vector_load %arg7[%get3A_81] {strides = array<i32>} : memref<8192xi32, #tpu.memory_space<vmem>>, vector<16xi32>,
      %gather3A_83 = tpu.vector_load_idx %arg6[%get3A_82] : memref<100000xf32, #tpu.memory_space<vmem>>[vector<16xi32>], vector<16xf32>,
      %swap3A_84 = arith.index_cast %mul3A_80 : i32 to index
      %swap3A_85 = tpu.vector_load %arg9[%swap3A_84] {strides = array<i32>} : memref<8192xf32, #tpu.memory_space<vmem>>, vector<16xf32>,
      tpu.vector_store %arg9[%swap3A_84], %gather3A_83 {strides = array<i32>} : memref<8192xf32, #tpu.memory_space<vmem>>, vector<16xf32>,
      %mul3A_86 = arith.constant 16 : i32
      %mul3A_87 = arith.muli %scan3A_65, %mul3A_86 : i32
      %add3A_88 = arith.constant 2 : i32
      %add3A_89 = arith.addi %mul3A_87, %add3A_88 : i32
      %mul3A_90 = arith.constant 16 : i32
      %mul3A_91 = arith.muli %add3A_89, %mul3A_90 : i32
      %get3A_92 = arith.index_cast %mul3A_91 : i32 to index
      %get3A_93 = tpu.vector_load %arg7[%get3A_92] {strides = array<i32>} : memref<8192xi32, #tpu.memory_space<vmem>>, vector<16xi32>,
      %gather3A_94 = tpu.vector_load_idx %arg6[%get3A_93] : memref<100000xf32, #tpu.memory_space<vmem>>[vector<16xi32>], vector<16xf32>,
      %swap3A_95 = arith.index_cast %mul3A_91 : i32 to index
      %swap3A_96 = tpu.vector_load %arg9[%swap3A_95] {strides = array<i32>} : memref<8192xf32, #tpu.memory_space<vmem>>, vector<16xf32>,
      tpu.vector_store %arg9[%swap3A_95], %gather3A_94 {strides = array<i32>} : memref<8192xf32, #tpu.memory_space<vmem>>, vector<16xf32>,
      %mul3A_97 = arith.constant 16 : i32
      %mul3A_98 = arith.muli %scan3A_65, %mul3A_97 : i32
      %add3A_99 = arith.constant 3 : i32
      %add3A_100 = arith.addi %mul3A_98, %add3A_99 : i32
      %mul3A_101 = arith.constant 16 : i32
      %mul3A_102 = arith.muli %add3A_100, %mul3A_101 : i32
      %get3A_103 = arith.index_cast %mul3A_102 : i32 to index
      %get3A_104 = tpu.vector_load %arg7[%get3A_103] {strides = array<i32>} : memref<8192xi32, #tpu.memory_space<vmem>>, vector<16xi32>,
      %gather3A_105 = tpu.vector_load_idx %arg6[%get3A_104] : memref<100000xf32, #tpu.memory_space<vmem>>[vector<16xi32>], vector<16xf32>,
      %swap3A_106 = arith.index_cast %mul3A_102 : i32 to index
      %swap3A_107 = tpu.vector_load %arg9[%swap3A_106] {strides = array<i32>} : memref<8192xf32, #tpu.memory_space<vmem>>, vector<16xf32>,
      tpu.vector_store %arg9[%swap3A_106], %gather3A_105 {strides = array<i32>} : memref<8192xf32, #tpu.memory_space<vmem>>, vector<16xf32>,
      %mul3A_108 = arith.constant 16 : i32
      %mul3A_109 = arith.muli %scan3A_65, %mul3A_108 : i32
      %add3A_110 = arith.constant 4 : i32
      %add3A_111 = arith.addi %mul3A_109, %add3A_110 : i32
      %mul3A_112 = arith.constant 16 : i32
      %mul3A_113 = arith.muli %add3A_111, %mul3A_112 : i32
      %get3A_114 = arith.index_cast %mul3A_113 : i32 to index
      %get3A_115 = tpu.vector_load %arg7[%get3A_114] {strides = array<i32>} : memref<8192xi32, #tpu.memory_space<vmem>>, vector<16xi32>,
      %gather3A_116 = tpu.vector_load_idx %arg6[%get3A_115] : memref<100000xf32, #tpu.memory_space<vmem>>[vector<16xi32>], vector<16xf32>,
      %swap3A_117 = arith.index_cast %mul3A_113 : i32 to index
      %swap3A_118 = tpu.vector_load %arg9[%swap3A_117] {strides = array<i32>} : memref<8192xf32, #tpu.memory_space<vmem>>, vector<16xf32>,
      tpu.vector_store %arg9[%swap3A_117], %gather3A_116 {strides = array<i32>} : memref<8192xf32, #tpu.memory_space<vmem>>, vector<16xf32>,
      %mul3A_119 = arith.constant 16 : i32
      %mul3A_120 = arith.muli %scan3A_65, %mul3A_119 : i32
      %add3A_121 = arith.constant 5 : i32
      %add3A_122 = arith.addi %mul3A_120, %add3A_121 : i32
      %mul3A_123 = arith.constant 16 : i32
      %mul3A_124 = arith.muli %add3A_122, %mul3A_123 : i32
      %get3A_125 = arith.index_cast %mul3A_124 : i32 to index
      %get3A_126 = tpu.vector_load %arg7[%get3A_125] {strides = array<i32>} : memref<8192xi32, #tpu.memory_space<vmem>>, vector<16xi32>,
      %gather3A_127 = tpu.vector_load_idx %arg6[%get3A_126] : memref<100000xf32, #tpu.memory_space<vmem>>[vector<16xi32>], vector<16xf32>,
      %swap3A_128 = arith.index_cast %mul3A_124 : i32 to index
      %swap3A_129 = tpu.vector_load %arg9[%swap3A_128] {strides = array<i32>} : memref<8192xf32, #tpu.memory_space<vmem>>, vector<16xf32>,
      tpu.vector_store %arg9[%swap3A_128], %gather3A_127 {strides = array<i32>} : memref<8192xf32, #tpu.memory_space<vmem>>, vector<16xf32>,
      %mul3A_130 = arith.constant 16 : i32
      %mul3A_131 = arith.muli %scan3A_65, %mul3A_130 : i32
      %add3A_132 = arith.constant 6 : i32
      %add3A_133 = arith.addi %mul3A_131, %add3A_132 : i32
      %mul3A_134 = arith.constant 16 : i32
      %mul3A_135 = arith.muli %add3A_133, %mul3A_134 : i32
      %get3A_136 = arith.index_cast %mul3A_135 : i32 to index
      %get3A_137 = tpu.vector_load %arg7[%get3A_136] {strides = array<i32>} : memref<8192xi32, #tpu.memory_space<vmem>>, vector<16xi32>,
      %gather3A_138 = tpu.vector_load_idx %arg6[%get3A_137] : memref<100000xf32, #tpu.memory_space<vmem>>[vector<16xi32>], vector<16xf32>,
      %swap3A_139 = arith.index_cast %mul3A_135 : i32 to index
      %swap3A_140 = tpu.vector_load %arg9[%swap3A_139] {strides = array<i32>} : memref<8192xf32, #tpu.memory_space<vmem>>, vector<16xf32>,
      tpu.vector_store %arg9[%swap3A_139], %gather3A_138 {strides = array<i32>} : memref<8192xf32, #tpu.memory_space<vmem>>, vector<16xf32>,
      %mul3A_141 = arith.constant 16 : i32
      %mul3A_142 = arith.muli %scan3A_65, %mul3A_141 : i32
      %add3A_143 = arith.constant 7 : i32
      %add3A_144 = arith.addi %mul3A_142, %add3A_143 : i32
      %mul3A_145 = arith.constant 16 : i32
      %mul3A_146 = arith.muli %add3A_144, %mul3A_145 : i32
      %get3A_147 = arith.index_cast %mul3A_146 : i32 to index
      %get3A_148 = tpu.vector_load %arg7[%get3A_147] {strides = array<i32>} : memref<8192xi32, #tpu.memory_space<vmem>>, vector<16xi32>,
      %gather3A_149 = tpu.vector_load_idx %arg6[%get3A_148] : memref<100000xf32, #tpu.memory_space<vmem>>[vector<16xi32>], vector<16xf32>,
      %swap3A_150 = arith.index_cast %mul3A_146 : i32 to index
      %swap3A_151 = tpu.vector_load %arg9[%swap3A_150] {strides = array<i32>} : memref<8192xf32, #tpu.memory_space<vmem>>, vector<16xf32>,
      tpu.vector_store %arg9[%swap3A_150], %gather3A_149 {strides = array<i32>} : memref<8192xf32, #tpu.memory_space<vmem>>, vector<16xf32>,
      %mul3A_152 = arith.constant 16 : i32
      %mul3A_153 = arith.muli %scan3A_65, %mul3A_152 : i32
      %add3A_154 = arith.constant 8 : i32
      %add3A_155 = arith.addi %mul3A_153, %add3A_154 : i32
      %mul3A_156 = arith.constant 16 : i32
      %mul3A_157 = arith.muli %add3A_155, %mul3A_156 : i32
      %get3A_158 = arith.index_cast %mul3A_157 : i32 to index
      %get3A_159 = tpu.vector_load %arg7[%get3A_158] {strides = array<i32>} : memref<8192xi32, #tpu.memory_space<vmem>>, vector<16xi32>,
      %gather3A_160 = tpu.vector_load_idx %arg6[%get3A_159] : memref<100000xf32, #tpu.memory_space<vmem>>[vector<16xi32>], vector<16xf32>,
      %swap3A_161 = arith.index_cast %mul3A_157 : i32 to index
      %swap3A_162 = tpu.vector_load %arg9[%swap3A_161] {strides = array<i32>} : memref<8192xf32, #tpu.memory_space<vmem>>, vector<16xf32>,
      tpu.vector_store %arg9[%swap3A_161], %gather3A_160 {strides = array<i32>} : memref<8192xf32, #tpu.memory_space<vmem>>, vector<16xf32>,
      %mul3A_163 = arith.constant 16 : i32
      %mul3A_164 = arith.muli %scan3A_65, %mul3A_163 : i32
      %add3A_165 = arith.constant 9 : i32
      %add3A_166 = arith.addi %mul3A_164, %add3A_165 : i32
      %mul3A_167 = arith.constant 16 : i32
      %mul3A_168 = arith.muli %add3A_166, %mul3A_167 : i32
      %get3A_169 = arith.index_cast %mul3A_168 : i32 to index
      %get3A_170 = tpu.vector_load %arg7[%get3A_169] {strides = array<i32>} : memref<8192xi32, #tpu.memory_space<vmem>>, vector<16xi32>,
      %gather3A_171 = tpu.vector_load_idx %arg6[%get3A_170] : memref<100000xf32, #tpu.memory_space<vmem>>[vector<16xi32>], vector<16xf32>,
      %swap3A_172 = arith.index_cast %mul3A_168 : i32 to index
      %swap3A_173 = tpu.vector_load %arg9[%swap3A_172] {strides = array<i32>} : memref<8192xf32, #tpu.memory_space<vmem>>, vector<16xf32>,
      tpu.vector_store %arg9[%swap3A_172], %gather3A_171 {strides = array<i32>} : memref<8192xf32, #tpu.memory_space<vmem>>, vector<16xf32>,
      %mul3A_174 = arith.constant 16 : i32
      %mul3A_175 = arith.muli %scan3A_65, %mul3A_174 : i32
      %add3A_176 = arith.constant 10 : i32
      %add3A_177 = arith.addi %mul3A_175, %add3A_176 : i32
      %mul3A_178 = arith.constant 16 : i32
      %mul3A_179 = arith.muli %add3A_177, %mul3A_178 : i32
      %get3A_180 = arith.index_cast %mul3A_179 : i32 to index
      %get3A_181 = tpu.vector_load %arg7[%get3A_180] {strides = array<i32>} : memref<8192xi32, #tpu.memory_space<vmem>>, vector<16xi32>,
      %gather3A_182 = tpu.vector_load_idx %arg6[%get3A_181] : memref<100000xf32, #tpu.memory_space<vmem>>[vector<16xi32>], vector<16xf32>,
      %swap3A_183 = arith.index_cast %mul3A_179 : i32 to index
      %swap3A_184 = tpu.vector_load %arg9[%swap3A_183] {strides = array<i32>} : memref<8192xf32, #tpu.memory_space<vmem>>, vector<16xf32>,
      tpu.vector_store %arg9[%swap3A_183], %gather3A_182 {strides = array<i32>} : memref<8192xf32, #tpu.memory_space<vmem>>, vector<16xf32>,
      %mul3A_185 = arith.constant 16 : i32
      %mul3A_186 = arith.muli %scan3A_65, %mul3A_185 : i32
      %add3A_187 = arith.constant 11 : i32
      %add3A_188 = arith.addi %mul3A_186, %add3A_187 : i32
      %mul3A_189 = arith.constant 16 : i32
      %mul3A_190 = arith.muli %add3A_188, %mul3A_189 : i32
      %get3A_191 = arith.index_cast %mul3A_190 : i32 to index
      %get3A_192 = tpu.vector_load %arg7[%get3A_191] {strides = array<i32>} : memref<8192xi32, #tpu.memory_space<vmem>>, vector<16xi32>,
      %gather3A_193 = tpu.vector_load_idx %arg6[%get3A_192] : memref<100000xf32, #tpu.memory_space<vmem>>[vector<16xi32>], vector<16xf32>,
      %swap3A_194 = arith.index_cast %mul3A_190 : i32 to index
      %swap3A_195 = tpu.vector_load %arg9[%swap3A_194] {strides = array<i32>} : memref<8192xf32, #tpu.memory_space<vmem>>, vector<16xf32>,
      tpu.vector_store %arg9[%swap3A_194], %gather3A_193 {strides = array<i32>} : memref<8192xf32, #tpu.memory_space<vmem>>, vector<16xf32>,
      %mul3A_196 = arith.constant 16 : i32
      %mul3A_197 = arith.muli %scan3A_65, %mul3A_196 : i32
      %add3A_198 = arith.constant 12 : i32
      %add3A_199 = arith.addi %mul3A_197, %add3A_198 : i32
      %mul3A_200 = arith.constant 16 : i32
      %mul3A_201 = arith.muli %add3A_199, %mul3A_200 : i32
      %get3A_202 = arith.index_cast %mul3A_201 : i32 to index
      %get3A_203 = tpu.vector_load %arg7[%get3A_202] {strides = array<i32>} : memref<8192xi32, #tpu.memory_space<vmem>>, vector<16xi32>,
      %gather3A_204 = tpu.vector_load_idx %arg6[%get3A_203] : memref<100000xf32, #tpu.memory_space<vmem>>[vector<16xi32>], vector<16xf32>,
      %swap3A_205 = arith.index_cast %mul3A_201 : i32 to index
      %swap3A_206 = tpu.vector_load %arg9[%swap3A_205] {strides = array<i32>} : memref<8192xf32, #tpu.memory_space<vmem>>, vector<16xf32>,
      tpu.vector_store %arg9[%swap3A_205], %gather3A_204 {strides = array<i32>} : memref<8192xf32, #tpu.memory_space<vmem>>, vector<16xf32>,
      %mul3A_207 = arith.constant 16 : i32
      %mul3A_208 = arith.muli %scan3A_65, %mul3A_207 : i32
      %add3A_209 = arith.constant 13 : i32
      %add3A_210 = arith.addi %mul3A_208, %add3A_209 : i32
      %mul3A_211 = arith.constant 16 : i32
      %mul3A_212 = arith.muli %add3A_210, %mul3A_211 : i32
      %get3A_213 = arith.index_cast %mul3A_212 : i32 to index
      %get3A_214 = tpu.vector_load %arg7[%get3A_213] {strides = array<i32>} : memref<8192xi32, #tpu.memory_space<vmem>>, vector<16xi32>,
      %gather3A_215 = tpu.vector_load_idx %arg6[%get3A_214] : memref<100000xf32, #tpu.memory_space<vmem>>[vector<16xi32>], vector<16xf32>,
      %swap3A_216 = arith.index_cast %mul3A_212 : i32 to index
      %swap3A_217 = tpu.vector_load %arg9[%swap3A_216] {strides = array<i32>} : memref<8192xf32, #tpu.memory_space<vmem>>, vector<16xf32>,
      tpu.vector_store %arg9[%swap3A_216], %gather3A_215 {strides = array<i32>} : memref<8192xf32, #tpu.memory_space<vmem>>, vector<16xf32>,
      %mul3A_218 = arith.constant 16 : i32
      %mul3A_219 = arith.muli %scan3A_65, %mul3A_218 : i32
      %add3A_220 = arith.constant 14 : i32
      %add3A_221 = arith.addi %mul3A_219, %add3A_220 : i32
      %mul3A_222 = arith.constant 16 : i32
      %mul3A_223 = arith.muli %add3A_221, %mul3A_222 : i32
      %get3A_224 = arith.index_cast %mul3A_223 : i32 to index
      %get3A_225 = tpu.vector_load %arg7[%get3A_224] {strides = array<i32>} : memref<8192xi32, #tpu.memory_space<vmem>>, vector<16xi32>,
      %gather3A_226 = tpu.vector_load_idx %arg6[%get3A_225] : memref<100000xf32, #tpu.memory_space<vmem>>[vector<16xi32>], vector<16xf32>,
      %swap3A_227 = arith.index_cast %mul3A_223 : i32 to index
      %swap3A_228 = tpu.vector_load %arg9[%swap3A_227] {strides = array<i32>} : memref<8192xf32, #tpu.memory_space<vmem>>, vector<16xf32>,
      tpu.vector_store %arg9[%swap3A_227], %gather3A_226 {strides = array<i32>} : memref<8192xf32, #tpu.memory_space<vmem>>, vector<16xf32>,
      %mul3A_229 = arith.constant 16 : i32
      %mul3A_230 = arith.muli %scan3A_65, %mul3A_229 : i32
      %add3A_231 = arith.constant 15 : i32
      %add3A_232 = arith.addi %mul3A_230, %add3A_231 : i32
      %mul3A_233 = arith.constant 16 : i32
      %mul3A_234 = arith.muli %add3A_232, %mul3A_233 : i32
      %get3A_235 = arith.index_cast %mul3A_234 : i32 to index
      %get3A_236 = tpu.vector_load %arg7[%get3A_235] {strides = array<i32>} : memref<8192xi32, #tpu.memory_space<vmem>>, vector<16xi32>,
      %gather3A_237 = tpu.vector_load_idx %arg6[%get3A_236] : memref<100000xf32, #tpu.memory_space<vmem>>[vector<16xi32>], vector<16xf32>,
      %swap3A_238 = arith.index_cast %mul3A_234 : i32 to index
      %swap3A_239 = tpu.vector_load %arg9[%swap3A_238] {strides = array<i32>} : memref<8192xf32, #tpu.memory_space<vmem>>, vector<16xf32>,
      tpu.vector_store %arg9[%swap3A_238], %gather3A_237 {strides = array<i32>} : memref<8192xf32, #tpu.memory_space<vmem>>, vector<16xf32>,
      %scan3A_240 = arith.constant 0 : i32
      scf.yield %scan3A_240 : i32
    }
    %scan3A_22 = arith.constant 32 : i32
    %run_scoped3A = arith.constant 0 : i32
    "tpu.region"() ({
      %run_scoped3A_65 = tpu.sem_alloc : memref<!tpu.dma_semaphore, #tpu.memory_space<semaphore_mem>>
      %dma_start3A_66 = arith.constant 0 : i32
      %dma_start3A_67 = tpu.memref_slice %arg5[%run_scoped3A, %add3A_11, %dma_start3A_66] : memref<2x64x8192xf32, #tpu.memory_space<hbm>> -> memref<1x1x8192xf32, #tpu.memory_space<hbm>>
      %dma_start3A_68 = tpu.memref_squeeze %dma_start3A_67 : memref<1x1x8192xf32, #tpu.memory_space<hbm>> -> memref<8192xf32, #tpu.memory_space<hbm>>
      %dma_start3A_69 = arith.constant 0 : i32
      %dma_start3A_70 = tpu.memref_slice %arg5[%run_scoped3A, %add3A_11, %dma_start3A_69] : memref<2x64x8192xf32, #tpu.memory_space<hbm>> -> memref<1x1x8192xf32, #tpu.memory_space<hbm>>
      %dma_start3A_71 = tpu.memref_squeeze %dma_start3A_70 : memref<1x1x8192xf32, #tpu.memory_space<hbm>> -> memref<8192xf32, #tpu.memory_space<hbm>>
      tpu.enqueue_dma source(%arg9 : memref<8192xf32, #tpu.memory_space<vmem>>) target(%dma_start3A_71 : memref<8192xf32, #tpu.memory_space<hbm>>) target_semaphore(%run_scoped3A_65 : memref<!tpu.dma_semaphore, #tpu.memory_space<semaphore_mem>>)
      %dma_wait3A_72 = arith.constant 0 : i32
      %dma_wait3A_73 = tpu.memref_slice %arg5[%run_scoped3A, %add3A_11, %dma_wait3A_72] : memref<2x64x8192xf32, #tpu.memory_space<hbm>> -> memref<1x1x8192xf32, #tpu.memory_space<hbm>>
      %dma_wait3A_74 = tpu.memref_squeeze %dma_wait3A_73 : memref<1x1x8192xf32, #tpu.memory_space<hbm>> -> memref<8192xf32, #tpu.memory_space<hbm>>
      %dma_wait3A_75 = arith.constant 0 : i32
      %dma_wait3A_76 = tpu.memref_slice %arg5[%run_scoped3A, %add3A_11, %dma_wait3A_75] : memref<2x64x8192xf32, #tpu.memory_space<hbm>> -> memref<1x1x8192xf32, #tpu.memory_space<hbm>>
      %dma_wait3A_77 = tpu.memref_squeeze %dma_wait3A_76 : memref<1x1x8192xf32, #tpu.memory_space<hbm>> -> memref<8192xf32, #tpu.memory_space<hbm>>
      tpu.wait_dma2 semaphore(%run_scoped3A_65 : memref<!tpu.dma_semaphore, #tpu.memory_space<semaphore_mem>>) src(%arg9 : memref<8192xf32, #tpu.memory_space<vmem>>) dst(%dma_wait3A_77 : memref<8192xf32, #tpu.memory_space<hbm>>)
      tpu.yield
    }) : () -> ()
    %scan3A_23 = arith.constant 0 : i32
    %scan3A_24 = arith.constant 0 : i32
    %scan3A_25 = arith.constant 32 : i32
    %scan3A_26 = arith.addi %scan3A_24, %scan3A_25 : i32
    %scan3A_27 = arith.constant 1 : i32
    %scan3A_28 = scf.for %scan3A_65 = %scan3A_24 to %scan3A_26 step %scan3A_27 iter_args(%scan3A_66 = %scan3A_23) -> (i32)  : i32 {
      %mul3A_67 = arith.constant 16 : i32
      %mul3A_68 = arith.muli %scan3A_65, %mul3A_67 : i32
      %add3A_69 = arith.constant 0 : i32
      %add3A_70 = arith.addi %mul3A_68, %add3A_69 : i32
      %mul3A_71 = arith.constant 16 : i32
      %mul3A_72 = arith.muli %add3A_70, %mul3A_71 : i32
      %get3A = arith.index_cast %mul3A_72 : i32 to index
      %get3A_73 = tpu.vector_load %arg8[%get3A] {strides = array<i32>} : memref<8192xi32, #tpu.memory_space<vmem>>, vector<16xi32>,
      %gather3A = tpu.vector_load_idx %arg6[%get3A_73] : memref<100000xf32, #tpu.memory_space<vmem>>[vector<16xi32>], vector<16xf32>,
      %swap3A = arith.index_cast %mul3A_72 : i32 to index
      %swap3A_74 = tpu.vector_load %arg9[%swap3A] {strides = array<i32>} : memref<8192xf32, #tpu.memory_space<vmem>>, vector<16xf32>,
      tpu.vector_store %arg9[%swap3A], %gather3A {strides = array<i32>} : memref<8192xf32, #tpu.memory_space<vmem>>, vector<16xf32>,
      %mul3A_75 = arith.constant 16 : i32
      %mul3A_76 = arith.muli %scan3A_65, %mul3A_75 : i32
      %add3A_77 = arith.constant 1 : i32
      %add3A_78 = arith.addi %mul3A_76, %add3A_77 : i32
      %mul3A_79 = arith.constant 16 : i32
      %mul3A_80 = arith.muli %add3A_78, %mul3A_79 : i32
      %get3A_81 = arith.index_cast %mul3A_80 : i32 to index
      %get3A_82 = tpu.vector_load %arg8[%get3A_81] {strides = array<i32>} : memref<8192xi32, #tpu.memory_space<vmem>>, vector<16xi32>,
      %gather3A_83 = tpu.vector_load_idx %arg6[%get3A_82] : memref<100000xf32, #tpu.memory_space<vmem>>[vector<16xi32>], vector<16xf32>,
      %swap3A_84 = arith.index_cast %mul3A_80 : i32 to index
      %swap3A_85 = tpu.vector_load %arg9[%swap3A_84] {strides = array<i32>} : memref<8192xf32, #tpu.memory_space<vmem>>, vector<16xf32>,
      tpu.vector_store %arg9[%swap3A_84], %gather3A_83 {strides = array<i32>} : memref<8192xf32, #tpu.memory_space<vmem>>, vector<16xf32>,
      %mul3A_86 = arith.constant 16 : i32
      %mul3A_87 = arith.muli %scan3A_65, %mul3A_86 : i32
      %add3A_88 = arith.constant 2 : i32
      %add3A_89 = arith.addi %mul3A_87, %add3A_88 : i32
      %mul3A_90 = arith.constant 16 : i32
      %mul3A_91 = arith.muli %add3A_89, %mul3A_90 : i32
      %get3A_92 = arith.index_cast %mul3A_91 : i32 to index
      %get3A_93 = tpu.vector_load %arg8[%get3A_92] {strides = array<i32>} : memref<8192xi32, #tpu.memory_space<vmem>>, vector<16xi32>,
      %gather3A_94 = tpu.vector_load_idx %arg6[%get3A_93] : memref<100000xf32, #tpu.memory_space<vmem>>[vector<16xi32>], vector<16xf32>,
      %swap3A_95 = arith.index_cast %mul3A_91 : i32 to index
      %swap3A_96 = tpu.vector_load %arg9[%swap3A_95] {strides = array<i32>} : memref<8192xf32, #tpu.memory_space<vmem>>, vector<16xf32>,
      tpu.vector_store %arg9[%swap3A_95], %gather3A_94 {strides = array<i32>} : memref<8192xf32, #tpu.memory_space<vmem>>, vector<16xf32>,
      %mul3A_97 = arith.constant 16 : i32
      %mul3A_98 = arith.muli %scan3A_65, %mul3A_97 : i32
      %add3A_99 = arith.constant 3 : i32
      %add3A_100 = arith.addi %mul3A_98, %add3A_99 : i32
      %mul3A_101 = arith.constant 16 : i32
      %mul3A_102 = arith.muli %add3A_100, %mul3A_101 : i32
      %get3A_103 = arith.index_cast %mul3A_102 : i32 to index
      %get3A_104 = tpu.vector_load %arg8[%get3A_103] {strides = array<i32>} : memref<8192xi32, #tpu.memory_space<vmem>>, vector<16xi32>,
      %gather3A_105 = tpu.vector_load_idx %arg6[%get3A_104] : memref<100000xf32, #tpu.memory_space<vmem>>[vector<16xi32>], vector<16xf32>,
      %swap3A_106 = arith.index_cast %mul3A_102 : i32 to index
      %swap3A_107 = tpu.vector_load %arg9[%swap3A_106] {strides = array<i32>} : memref<8192xf32, #tpu.memory_space<vmem>>, vector<16xf32>,
      tpu.vector_store %arg9[%swap3A_106], %gather3A_105 {strides = array<i32>} : memref<8192xf32, #tpu.memory_space<vmem>>, vector<16xf32>,
      %mul3A_108 = arith.constant 16 : i32
      %mul3A_109 = arith.muli %scan3A_65, %mul3A_108 : i32
      %add3A_110 = arith.constant 4 : i32
      %add3A_111 = arith.addi %mul3A_109, %add3A_110 : i32
      %mul3A_112 = arith.constant 16 : i32
      %mul3A_113 = arith.muli %add3A_111, %mul3A_112 : i32
      %get3A_114 = arith.index_cast %mul3A_113 : i32 to index
      %get3A_115 = tpu.vector_load %arg8[%get3A_114] {strides = array<i32>} : memref<8192xi32, #tpu.memory_space<vmem>>, vector<16xi32>,
      %gather3A_116 = tpu.vector_load_idx %arg6[%get3A_115] : memref<100000xf32, #tpu.memory_space<vmem>>[vector<16xi32>], vector<16xf32>,
      %swap3A_117 = arith.index_cast %mul3A_113 : i32 to index
      %swap3A_118 = tpu.vector_load %arg9[%swap3A_117] {strides = array<i32>} : memref<8192xf32, #tpu.memory_space<vmem>>, vector<16xf32>,
      tpu.vector_store %arg9[%swap3A_117], %gather3A_116 {strides = array<i32>} : memref<8192xf32, #tpu.memory_space<vmem>>, vector<16xf32>,
      %mul3A_119 = arith.constant 16 : i32
      %mul3A_120 = arith.muli %scan3A_65, %mul3A_119 : i32
      %add3A_121 = arith.constant 5 : i32
      %add3A_122 = arith.addi %mul3A_120, %add3A_121 : i32
      %mul3A_123 = arith.constant 16 : i32
      %mul3A_124 = arith.muli %add3A_122, %mul3A_123 : i32
      %get3A_125 = arith.index_cast %mul3A_124 : i32 to index
      %get3A_126 = tpu.vector_load %arg8[%get3A_125] {strides = array<i32>} : memref<8192xi32, #tpu.memory_space<vmem>>, vector<16xi32>,
      %gather3A_127 = tpu.vector_load_idx %arg6[%get3A_126] : memref<100000xf32, #tpu.memory_space<vmem>>[vector<16xi32>], vector<16xf32>,
      %swap3A_128 = arith.index_cast %mul3A_124 : i32 to index
      %swap3A_129 = tpu.vector_load %arg9[%swap3A_128] {strides = array<i32>} : memref<8192xf32, #tpu.memory_space<vmem>>, vector<16xf32>,
      tpu.vector_store %arg9[%swap3A_128], %gather3A_127 {strides = array<i32>} : memref<8192xf32, #tpu.memory_space<vmem>>, vector<16xf32>,
      %mul3A_130 = arith.constant 16 : i32
      %mul3A_131 = arith.muli %scan3A_65, %mul3A_130 : i32
      %add3A_132 = arith.constant 6 : i32
      %add3A_133 = arith.addi %mul3A_131, %add3A_132 : i32
      %mul3A_134 = arith.constant 16 : i32
      %mul3A_135 = arith.muli %add3A_133, %mul3A_134 : i32
      %get3A_136 = arith.index_cast %mul3A_135 : i32 to index
      %get3A_137 = tpu.vector_load %arg8[%get3A_136] {strides = array<i32>} : memref<8192xi32, #tpu.memory_space<vmem>>, vector<16xi32>,
      %gather3A_138 = tpu.vector_load_idx %arg6[%get3A_137] : memref<100000xf32, #tpu.memory_space<vmem>>[vector<16xi32>], vector<16xf32>,
      %swap3A_139 = arith.index_cast %mul3A_135 : i32 to index
      %swap3A_140 = tpu.vector_load %arg9[%swap3A_139] {strides = array<i32>} : memref<8192xf32, #tpu.memory_space<vmem>>, vector<16xf32>,
      tpu.vector_store %arg9[%swap3A_139], %gather3A_138 {strides = array<i32>} : memref<8192xf32, #tpu.memory_space<vmem>>, vector<16xf32>,
      %mul3A_141 = arith.constant 16 : i32
      %mul3A_142 = arith.muli %scan3A_65, %mul3A_141 : i32
      %add3A_143 = arith.constant 7 : i32
      %add3A_144 = arith.addi %mul3A_142, %add3A_143 : i32
      %mul3A_145 = arith.constant 16 : i32
      %mul3A_146 = arith.muli %add3A_144, %mul3A_145 : i32
      %get3A_147 = arith.index_cast %mul3A_146 : i32 to index
      %get3A_148 = tpu.vector_load %arg8[%get3A_147] {strides = array<i32>} : memref<8192xi32, #tpu.memory_space<vmem>>, vector<16xi32>,
      %gather3A_149 = tpu.vector_load_idx %arg6[%get3A_148] : memref<100000xf32, #tpu.memory_space<vmem>>[vector<16xi32>], vector<16xf32>,
      %swap3A_150 = arith.index_cast %mul3A_146 : i32 to index
      %swap3A_151 = tpu.vector_load %arg9[%swap3A_150] {strides = array<i32>} : memref<8192xf32, #tpu.memory_space<vmem>>, vector<16xf32>,
      tpu.vector_store %arg9[%swap3A_150], %gather3A_149 {strides = array<i32>} : memref<8192xf32, #tpu.memory_space<vmem>>, vector<16xf32>,
      %mul3A_152 = arith.constant 16 : i32
      %mul3A_153 = arith.muli %scan3A_65, %mul3A_152 : i32
      %add3A_154 = arith.constant 8 : i32
      %add3A_155 = arith.addi %mul3A_153, %add3A_154 : i32
      %mul3A_156 = arith.constant 16 : i32
      %mul3A_157 = arith.muli %add3A_155, %mul3A_156 : i32
      %get3A_158 = arith.index_cast %mul3A_157 : i32 to index
      %get3A_159 = tpu.vector_load %arg8[%get3A_158] {strides = array<i32>} : memref<8192xi32, #tpu.memory_space<vmem>>, vector<16xi32>,
      %gather3A_160 = tpu.vector_load_idx %arg6[%get3A_159] : memref<100000xf32, #tpu.memory_space<vmem>>[vector<16xi32>], vector<16xf32>,
      %swap3A_161 = arith.index_cast %mul3A_157 : i32 to index
      %swap3A_162 = tpu.vector_load %arg9[%swap3A_161] {strides = array<i32>} : memref<8192xf32, #tpu.memory_space<vmem>>, vector<16xf32>,
      tpu.vector_store %arg9[%swap3A_161], %gather3A_160 {strides = array<i32>} : memref<8192xf32, #tpu.memory_space<vmem>>, vector<16xf32>,
      %mul3A_163 = arith.constant 16 : i32
      %mul3A_164 = arith.muli %scan3A_65, %mul3A_163 : i32
      %add3A_165 = arith.constant 9 : i32
      %add3A_166 = arith.addi %mul3A_164, %add3A_165 : i32
      %mul3A_167 = arith.constant 16 : i32
      %mul3A_168 = arith.muli %add3A_166, %mul3A_167 : i32
      %get3A_169 = arith.index_cast %mul3A_168 : i32 to index
      %get3A_170 = tpu.vector_load %arg8[%get3A_169] {strides = array<i32>} : memref<8192xi32, #tpu.memory_space<vmem>>, vector<16xi32>,
      %gather3A_171 = tpu.vector_load_idx %arg6[%get3A_170] : memref<100000xf32, #tpu.memory_space<vmem>>[vector<16xi32>], vector<16xf32>,
      %swap3A_172 = arith.index_cast %mul3A_168 : i32 to index
      %swap3A_173 = tpu.vector_load %arg9[%swap3A_172] {strides = array<i32>} : memref<8192xf32, #tpu.memory_space<vmem>>, vector<16xf32>,
      tpu.vector_store %arg9[%swap3A_172], %gather3A_171 {strides = array<i32>} : memref<8192xf32, #tpu.memory_space<vmem>>, vector<16xf32>,
      %mul3A_174 = arith.constant 16 : i32
      %mul3A_175 = arith.muli %scan3A_65, %mul3A_174 : i32
      %add3A_176 = arith.constant 10 : i32
      %add3A_177 = arith.addi %mul3A_175, %add3A_176 : i32
      %mul3A_178 = arith.constant 16 : i32
      %mul3A_179 = arith.muli %add3A_177, %mul3A_178 : i32
      %get3A_180 = arith.index_cast %mul3A_179 : i32 to index
      %get3A_181 = tpu.vector_load %arg8[%get3A_180] {strides = array<i32>} : memref<8192xi32, #tpu.memory_space<vmem>>, vector<16xi32>,
      %gather3A_182 = tpu.vector_load_idx %arg6[%get3A_181] : memref<100000xf32, #tpu.memory_space<vmem>>[vector<16xi32>], vector<16xf32>,
      %swap3A_183 = arith.index_cast %mul3A_179 : i32 to index
      %swap3A_184 = tpu.vector_load %arg9[%swap3A_183] {strides = array<i32>} : memref<8192xf32, #tpu.memory_space<vmem>>, vector<16xf32>,
      tpu.vector_store %arg9[%swap3A_183], %gather3A_182 {strides = array<i32>} : memref<8192xf32, #tpu.memory_space<vmem>>, vector<16xf32>,
      %mul3A_185 = arith.constant 16 : i32
      %mul3A_186 = arith.muli %scan3A_65, %mul3A_185 : i32
      %add3A_187 = arith.constant 11 : i32
      %add3A_188 = arith.addi %mul3A_186, %add3A_187 : i32
      %mul3A_189 = arith.constant 16 : i32
      %mul3A_190 = arith.muli %add3A_188, %mul3A_189 : i32
      %get3A_191 = arith.index_cast %mul3A_190 : i32 to index
      %get3A_192 = tpu.vector_load %arg8[%get3A_191] {strides = array<i32>} : memref<8192xi32, #tpu.memory_space<vmem>>, vector<16xi32>,
      %gather3A_193 = tpu.vector_load_idx %arg6[%get3A_192] : memref<100000xf32, #tpu.memory_space<vmem>>[vector<16xi32>], vector<16xf32>,
      %swap3A_194 = arith.index_cast %mul3A_190 : i32 to index
      %swap3A_195 = tpu.vector_load %arg9[%swap3A_194] {strides = array<i32>} : memref<8192xf32, #tpu.memory_space<vmem>>, vector<16xf32>,
      tpu.vector_store %arg9[%swap3A_194], %gather3A_193 {strides = array<i32>} : memref<8192xf32, #tpu.memory_space<vmem>>, vector<16xf32>,
      %mul3A_196 = arith.constant 16 : i32
      %mul3A_197 = arith.muli %scan3A_65, %mul3A_196 : i32
      %add3A_198 = arith.constant 12 : i32
      %add3A_199 = arith.addi %mul3A_197, %add3A_198 : i32
      %mul3A_200 = arith.constant 16 : i32
      %mul3A_201 = arith.muli %add3A_199, %mul3A_200 : i32
      %get3A_202 = arith.index_cast %mul3A_201 : i32 to index
      %get3A_203 = tpu.vector_load %arg8[%get3A_202] {strides = array<i32>} : memref<8192xi32, #tpu.memory_space<vmem>>, vector<16xi32>,
      %gather3A_204 = tpu.vector_load_idx %arg6[%get3A_203] : memref<100000xf32, #tpu.memory_space<vmem>>[vector<16xi32>], vector<16xf32>,
      %swap3A_205 = arith.index_cast %mul3A_201 : i32 to index
      %swap3A_206 = tpu.vector_load %arg9[%swap3A_205] {strides = array<i32>} : memref<8192xf32, #tpu.memory_space<vmem>>, vector<16xf32>,
      tpu.vector_store %arg9[%swap3A_205], %gather3A_204 {strides = array<i32>} : memref<8192xf32, #tpu.memory_space<vmem>>, vector<16xf32>,
      %mul3A_207 = arith.constant 16 : i32
      %mul3A_208 = arith.muli %scan3A_65, %mul3A_207 : i32
      %add3A_209 = arith.constant 13 : i32
      %add3A_210 = arith.addi %mul3A_208, %add3A_209 : i32
      %mul3A_211 = arith.constant 16 : i32
      %mul3A_212 = arith.muli %add3A_210, %mul3A_211 : i32
      %get3A_213 = arith.index_cast %mul3A_212 : i32 to index
      %get3A_214 = tpu.vector_load %arg8[%get3A_213] {strides = array<i32>} : memref<8192xi32, #tpu.memory_space<vmem>>, vector<16xi32>,
      %gather3A_215 = tpu.vector_load_idx %arg6[%get3A_214] : memref<100000xf32, #tpu.memory_space<vmem>>[vector<16xi32>], vector<16xf32>,
      %swap3A_216 = arith.index_cast %mul3A_212 : i32 to index
      %swap3A_217 = tpu.vector_load %arg9[%swap3A_216] {strides = array<i32>} : memref<8192xf32, #tpu.memory_space<vmem>>, vector<16xf32>,
      tpu.vector_store %arg9[%swap3A_216], %gather3A_215 {strides = array<i32>} : memref<8192xf32, #tpu.memory_space<vmem>>, vector<16xf32>,
      %mul3A_218 = arith.constant 16 : i32
      %mul3A_219 = arith.muli %scan3A_65, %mul3A_218 : i32
      %add3A_220 = arith.constant 14 : i32
      %add3A_221 = arith.addi %mul3A_219, %add3A_220 : i32
      %mul3A_222 = arith.constant 16 : i32
      %mul3A_223 = arith.muli %add3A_221, %mul3A_222 : i32
      %get3A_224 = arith.index_cast %mul3A_223 : i32 to index
      %get3A_225 = tpu.vector_load %arg8[%get3A_224] {strides = array<i32>} : memref<8192xi32, #tpu.memory_space<vmem>>, vector<16xi32>,
      %gather3A_226 = tpu.vector_load_idx %arg6[%get3A_225] : memref<100000xf32, #tpu.memory_space<vmem>>[vector<16xi32>], vector<16xf32>,
      %swap3A_227 = arith.index_cast %mul3A_223 : i32 to index
      %swap3A_228 = tpu.vector_load %arg9[%swap3A_227] {strides = array<i32>} : memref<8192xf32, #tpu.memory_space<vmem>>, vector<16xf32>,
      tpu.vector_store %arg9[%swap3A_227], %gather3A_226 {strides = array<i32>} : memref<8192xf32, #tpu.memory_space<vmem>>, vector<16xf32>,
      %mul3A_229 = arith.constant 16 : i32
      %mul3A_230 = arith.muli %scan3A_65, %mul3A_229 : i32
      %add3A_231 = arith.constant 15 : i32
      %add3A_232 = arith.addi %mul3A_230, %add3A_231 : i32
      %mul3A_233 = arith.constant 16 : i32
      %mul3A_234 = arith.muli %add3A_232, %mul3A_233 : i32
      %get3A_235 = arith.index_cast %mul3A_234 : i32 to index
      %get3A_236 = tpu.vector_load %arg8[%get3A_235] {strides = array<i32>} : memref<8192xi32, #tpu.memory_space<vmem>>, vector<16xi32>,
      %gather3A_237 = tpu.vector_load_idx %arg6[%get3A_236] : memref<100000xf32, #tpu.memory_space<vmem>>[vector<16xi32>], vector<16xf32>,
      %swap3A_238 = arith.index_cast %mul3A_234 : i32 to index
      %swap3A_239 = tpu.vector_load %arg9[%swap3A_238] {strides = array<i32>} : memref<8192xf32, #tpu.memory_space<vmem>>, vector<16xf32>,
      tpu.vector_store %arg9[%swap3A_238], %gather3A_237 {strides = array<i32>} : memref<8192xf32, #tpu.memory_space<vmem>>, vector<16xf32>,
      %scan3A_240 = arith.constant 0 : i32
      scf.yield %scan3A_240 : i32
    }
    %scan3A_29 = arith.constant 32 : i32
    %add3A_30 = arith.constant 1 : i32
    %add3A_31 = arith.addi %add3A_11, %add3A_30 : i32
    %dma_start3A_32 = arith.constant 0 : i32
    %dma_start3A_33 = tpu.memref_slice %arg4[%add3A_31, %dma_start3A_32] : memref<64x100000xf32, #tpu.memory_space<hbm>> -> memref<1x100000xf32, #tpu.memory_space<hbm>>
    %dma_start3A_34 = tpu.memref_squeeze %dma_start3A_33 : memref<1x100000xf32, #tpu.memory_space<hbm>> -> memref<100000xf32, #tpu.memory_space<hbm>>
    %dma_start3A_35 = arith.constant 0 : i32
    %dma_start3A_36 = tpu.memref_slice %arg4[%add3A_31, %dma_start3A_35] : memref<64x100000xf32, #tpu.memory_space<hbm>> -> memref<1x100000xf32, #tpu.memory_space<hbm>>
    %dma_start3A_37 = tpu.memref_squeeze %dma_start3A_36 : memref<1x100000xf32, #tpu.memory_space<hbm>> -> memref<100000xf32, #tpu.memory_space<hbm>>
    tpu.enqueue_dma source(%dma_start3A_37 : memref<100000xf32, #tpu.memory_space<hbm>>) target(%arg6 : memref<100000xf32, #tpu.memory_space<vmem>>) target_semaphore(%arg10 : memref<!tpu.dma_semaphore, #tpu.memory_space<semaphore_mem>>)
    %run_scoped3A_38 = arith.constant 1 : i32
    "tpu.region"() ({
      %run_scoped3A_65 = tpu.sem_alloc : memref<!tpu.dma_semaphore, #tpu.memory_space<semaphore_mem>>
      %dma_start3A_66 = arith.constant 0 : i32
      %dma_start3A_67 = tpu.memref_slice %arg5[%run_scoped3A_38, %add3A_11, %dma_start3A_66] : memref<2x64x8192xf32, #tpu.memory_space<hbm>> -> memref<1x1x8192xf32, #tpu.memory_space<hbm>>
      %dma_start3A_68 = tpu.memref_squeeze %dma_start3A_67 : memref<1x1x8192xf32, #tpu.memory_space<hbm>> -> memref<8192xf32, #tpu.memory_space<hbm>>
      %dma_start3A_69 = arith.constant 0 : i32
      %dma_start3A_70 = tpu.memref_slice %arg5[%run_scoped3A_38, %add3A_11, %dma_start3A_69] : memref<2x64x8192xf32, #tpu.memory_space<hbm>> -> memref<1x1x8192xf32, #tpu.memory_space<hbm>>
      %dma_start3A_71 = tpu.memref_squeeze %dma_start3A_70 : memref<1x1x8192xf32, #tpu.memory_space<hbm>> -> memref<8192xf32, #tpu.memory_space<hbm>>
      tpu.enqueue_dma source(%arg9 : memref<8192xf32, #tpu.memory_space<vmem>>) target(%dma_start3A_71 : memref<8192xf32, #tpu.memory_space<hbm>>) target_semaphore(%run_scoped3A_65 : memref<!tpu.dma_semaphore, #tpu.memory_space<semaphore_mem>>)
      %dma_wait3A_72 = arith.constant 0 : i32
      %dma_wait3A_73 = tpu.memref_slice %arg5[%run_scoped3A_38, %add3A_11, %dma_wait3A_72] : memref<2x64x8192xf32, #tpu.memory_space<hbm>> -> memref<1x1x8192xf32, #tpu.memory_space<hbm>>
      %dma_wait3A_74 = tpu.memref_squeeze %dma_wait3A_73 : memref<1x1x8192xf32, #tpu.memory_space<hbm>> -> memref<8192xf32, #tpu.memory_space<hbm>>
      %dma_wait3A_75 = arith.constant 0 : i32
      %dma_wait3A_76 = tpu.memref_slice %arg5[%run_scoped3A_38, %add3A_11, %dma_wait3A_75] : memref<2x64x8192xf32, #tpu.memory_space<hbm>> -> memref<1x1x8192xf32, #tpu.memory_space<hbm>>
      %dma_wait3A_77 = tpu.memref_squeeze %dma_wait3A_76 : memref<1x1x8192xf32, #tpu.memory_space<hbm>> -> memref<8192xf32, #tpu.memory_space<hbm>>
      tpu.wait_dma2 semaphore(%run_scoped3A_65 : memref<!tpu.dma_semaphore, #tpu.memory_space<semaphore_mem>>) src(%arg9 : memref<8192xf32, #tpu.memory_space<vmem>>) dst(%dma_wait3A_77 : memref<8192xf32, #tpu.memory_space<hbm>>)
      tpu.yield
    }) : () -> ()
    %mul3A_39 = arith.constant 2 : i32
    %mul3A_40 = arith.muli %add3A, %mul3A_39 : i32
    %add3A_41 = arith.constant 1 : i32
    %add3A_42 = arith.addi %mul3A_40, %add3A_41 : i32
    %dma_wait3A_43 = arith.constant 0 : i32
    %dma_wait3A_44 = tpu.memref_slice %arg4[%add3A_31, %dma_wait3A_43] : memref<64x100000xf32, #tpu.memory_space<hbm>> -> memref<1x100000xf32, #tpu.memory_space<hbm>>
    %dma_wait3A_45 = tpu.memref_squeeze %dma_wait3A_44 : memref<1x100000xf32, #tpu.memory_space<hbm>> -> memref<100000xf32, #tpu.memory_space<hbm>>
    %dma_wait3A_46 = arith.constant 0 : i32
    %dma_wait3A_47 = tpu.memref_slice %arg4[%add3A_31, %dma_wait3A_46] : memref<64x100000xf32, #tpu.memory_space<hbm>> -> memref<1x100000xf32, #tpu.memory_space<hbm>>
    %dma_wait3A_48 = tpu.memref_squeeze %dma_wait3A_47 : memref<1x100000xf32, #tpu.memory_space<hbm>> -> memref<100000xf32, #tpu.memory_space<hbm>>
    tpu.wait_dma2 semaphore(%arg10 : memref<!tpu.dma_semaphore, #tpu.memory_space<semaphore_mem>>) src(%dma_wait3A_48 : memref<100000xf32, #tpu.memory_space<hbm>>) dst(%arg6 : memref<100000xf32, #tpu.memory_space<vmem>>)
    %scan3A_49 = arith.constant 0 : i32
    %scan3A_50 = arith.constant 0 : i32
    %scan3A_51 = arith.constant 32 : i32
    %scan3A_52 = arith.addi %scan3A_50, %scan3A_51 : i32
    %scan3A_53 = arith.constant 1 : i32
    %scan3A_54 = scf.for %scan3A_65 = %scan3A_50 to %scan3A_52 step %scan3A_53 iter_args(%scan3A_66 = %scan3A_49) -> (i32)  : i32 {
      %mul3A_67 = arith.constant 16 : i32
      %mul3A_68 = arith.muli %scan3A_65, %mul3A_67 : i32
      %add3A_69 = arith.constant 0 : i32
      %add3A_70 = arith.addi %mul3A_68, %add3A_69 : i32
      %mul3A_71 = arith.constant 16 : i32
      %mul3A_72 = arith.muli %add3A_70, %mul3A_71 : i32
      %get3A = arith.index_cast %mul3A_72 : i32 to index
      %get3A_73 = tpu.vector_load %arg7[%get3A] {strides = array<i32>} : memref<8192xi32, #tpu.memory_space<vmem>>, vector<16xi32>,
      %gather3A = tpu.vector_load_idx %arg6[%get3A_73] : memref<100000xf32, #tpu.memory_space<vmem>>[vector<16xi32>], vector<16xf32>,
      %swap3A = arith.index_cast %mul3A_72 : i32 to index
      %swap3A_74 = tpu.vector_load %arg9[%swap3A] {strides = array<i32>} : memref<8192xf32, #tpu.memory_space<vmem>>, vector<16xf32>,
      tpu.vector_store %arg9[%swap3A], %gather3A {strides = array<i32>} : memref<8192xf32, #tpu.memory_space<vmem>>, vector<16xf32>,
      %mul3A_75 = arith.constant 16 : i32
      %mul3A_76 = arith.muli %scan3A_65, %mul3A_75 : i32
      %add3A_77 = arith.constant 1 : i32
      %add3A_78 = arith.addi %mul3A_76, %add3A_77 : i32
      %mul3A_79 = arith.constant 16 : i32
      %mul3A_80 = arith.muli %add3A_78, %mul3A_79 : i32
      %get3A_81 = arith.index_cast %mul3A_80 : i32 to index
      %get3A_82 = tpu.vector_load %arg7[%get3A_81] {strides = array<i32>} : memref<8192xi32, #tpu.memory_space<vmem>>, vector<16xi32>,
      %gather3A_83 = tpu.vector_load_idx %arg6[%get3A_82] : memref<100000xf32, #tpu.memory_space<vmem>>[vector<16xi32>], vector<16xf32>,
      %swap3A_84 = arith.index_cast %mul3A_80 : i32 to index
      %swap3A_85 = tpu.vector_load %arg9[%swap3A_84] {strides = array<i32>} : memref<8192xf32, #tpu.memory_space<vmem>>, vector<16xf32>,
      tpu.vector_store %arg9[%swap3A_84], %gather3A_83 {strides = array<i32>} : memref<8192xf32, #tpu.memory_space<vmem>>, vector<16xf32>,
      %mul3A_86 = arith.constant 16 : i32
      %mul3A_87 = arith.muli %scan3A_65, %mul3A_86 : i32
      %add3A_88 = arith.constant 2 : i32
      %add3A_89 = arith.addi %mul3A_87, %add3A_88 : i32
      %mul3A_90 = arith.constant 16 : i32
      %mul3A_91 = arith.muli %add3A_89, %mul3A_90 : i32
      %get3A_92 = arith.index_cast %mul3A_91 : i32 to index
      %get3A_93 = tpu.vector_load %arg7[%get3A_92] {strides = array<i32>} : memref<8192xi32, #tpu.memory_space<vmem>>, vector<16xi32>,
      %gather3A_94 = tpu.vector_load_idx %arg6[%get3A_93] : memref<100000xf32, #tpu.memory_space<vmem>>[vector<16xi32>], vector<16xf32>,
      %swap3A_95 = arith.index_cast %mul3A_91 : i32 to index
      %swap3A_96 = tpu.vector_load %arg9[%swap3A_95] {strides = array<i32>} : memref<8192xf32, #tpu.memory_space<vmem>>, vector<16xf32>,
      tpu.vector_store %arg9[%swap3A_95], %gather3A_94 {strides = array<i32>} : memref<8192xf32, #tpu.memory_space<vmem>>, vector<16xf32>,
      %mul3A_97 = arith.constant 16 : i32
      %mul3A_98 = arith.muli %scan3A_65, %mul3A_97 : i32
      %add3A_99 = arith.constant 3 : i32
      %add3A_100 = arith.addi %mul3A_98, %add3A_99 : i32
      %mul3A_101 = arith.constant 16 : i32
      %mul3A_102 = arith.muli %add3A_100, %mul3A_101 : i32
      %get3A_103 = arith.index_cast %mul3A_102 : i32 to index
      %get3A_104 = tpu.vector_load %arg7[%get3A_103] {strides = array<i32>} : memref<8192xi32, #tpu.memory_space<vmem>>, vector<16xi32>,
      %gather3A_105 = tpu.vector_load_idx %arg6[%get3A_104] : memref<100000xf32, #tpu.memory_space<vmem>>[vector<16xi32>], vector<16xf32>,
      %swap3A_106 = arith.index_cast %mul3A_102 : i32 to index
      %swap3A_107 = tpu.vector_load %arg9[%swap3A_106] {strides = array<i32>} : memref<8192xf32, #tpu.memory_space<vmem>>, vector<16xf32>,
      tpu.vector_store %arg9[%swap3A_106], %gather3A_105 {strides = array<i32>} : memref<8192xf32, #tpu.memory_space<vmem>>, vector<16xf32>,
      %mul3A_108 = arith.constant 16 : i32
      %mul3A_109 = arith.muli %scan3A_65, %mul3A_108 : i32
      %add3A_110 = arith.constant 4 : i32
      %add3A_111 = arith.addi %mul3A_109, %add3A_110 : i32
      %mul3A_112 = arith.constant 16 : i32
      %mul3A_113 = arith.muli %add3A_111, %mul3A_112 : i32
      %get3A_114 = arith.index_cast %mul3A_113 : i32 to index
      %get3A_115 = tpu.vector_load %arg7[%get3A_114] {strides = array<i32>} : memref<8192xi32, #tpu.memory_space<vmem>>, vector<16xi32>,
      %gather3A_116 = tpu.vector_load_idx %arg6[%get3A_115] : memref<100000xf32, #tpu.memory_space<vmem>>[vector<16xi32>], vector<16xf32>,
      %swap3A_117 = arith.index_cast %mul3A_113 : i32 to index
      %swap3A_118 = tpu.vector_load %arg9[%swap3A_117] {strides = array<i32>} : memref<8192xf32, #tpu.memory_space<vmem>>, vector<16xf32>,
      tpu.vector_store %arg9[%swap3A_117], %gather3A_116 {strides = array<i32>} : memref<8192xf32, #tpu.memory_space<vmem>>, vector<16xf32>,
      %mul3A_119 = arith.constant 16 : i32
      %mul3A_120 = arith.muli %scan3A_65, %mul3A_119 : i32
      %add3A_121 = arith.constant 5 : i32
      %add3A_122 = arith.addi %mul3A_120, %add3A_121 : i32
      %mul3A_123 = arith.constant 16 : i32
      %mul3A_124 = arith.muli %add3A_122, %mul3A_123 : i32
      %get3A_125 = arith.index_cast %mul3A_124 : i32 to index
      %get3A_126 = tpu.vector_load %arg7[%get3A_125] {strides = array<i32>} : memref<8192xi32, #tpu.memory_space<vmem>>, vector<16xi32>,
      %gather3A_127 = tpu.vector_load_idx %arg6[%get3A_126] : memref<100000xf32, #tpu.memory_space<vmem>>[vector<16xi32>], vector<16xf32>,
      %swap3A_128 = arith.index_cast %mul3A_124 : i32 to index
      %swap3A_129 = tpu.vector_load %arg9[%swap3A_128] {strides = array<i32>} : memref<8192xf32, #tpu.memory_space<vmem>>, vector<16xf32>,
      tpu.vector_store %arg9[%swap3A_128], %gather3A_127 {strides = array<i32>} : memref<8192xf32, #tpu.memory_space<vmem>>, vector<16xf32>,
      %mul3A_130 = arith.constant 16 : i32
      %mul3A_131 = arith.muli %scan3A_65, %mul3A_130 : i32
      %add3A_132 = arith.constant 6 : i32
      %add3A_133 = arith.addi %mul3A_131, %add3A_132 : i32
      %mul3A_134 = arith.constant 16 : i32
      %mul3A_135 = arith.muli %add3A_133, %mul3A_134 : i32
      %get3A_136 = arith.index_cast %mul3A_135 : i32 to index
      %get3A_137 = tpu.vector_load %arg7[%get3A_136] {strides = array<i32>} : memref<8192xi32, #tpu.memory_space<vmem>>, vector<16xi32>,
      %gather3A_138 = tpu.vector_load_idx %arg6[%get3A_137] : memref<100000xf32, #tpu.memory_space<vmem>>[vector<16xi32>], vector<16xf32>,
      %swap3A_139 = arith.index_cast %mul3A_135 : i32 to index
      %swap3A_140 = tpu.vector_load %arg9[%swap3A_139] {strides = array<i32>} : memref<8192xf32, #tpu.memory_space<vmem>>, vector<16xf32>,
      tpu.vector_store %arg9[%swap3A_139], %gather3A_138 {strides = array<i32>} : memref<8192xf32, #tpu.memory_space<vmem>>, vector<16xf32>,
      %mul3A_141 = arith.constant 16 : i32
      %mul3A_142 = arith.muli %scan3A_65, %mul3A_141 : i32
      %add3A_143 = arith.constant 7 : i32
      %add3A_144 = arith.addi %mul3A_142, %add3A_143 : i32
      %mul3A_145 = arith.constant 16 : i32
      %mul3A_146 = arith.muli %add3A_144, %mul3A_145 : i32
      %get3A_147 = arith.index_cast %mul3A_146 : i32 to index
      %get3A_148 = tpu.vector_load %arg7[%get3A_147] {strides = array<i32>} : memref<8192xi32, #tpu.memory_space<vmem>>, vector<16xi32>,
      %gather3A_149 = tpu.vector_load_idx %arg6[%get3A_148] : memref<100000xf32, #tpu.memory_space<vmem>>[vector<16xi32>], vector<16xf32>,
      %swap3A_150 = arith.index_cast %mul3A_146 : i32 to index
      %swap3A_151 = tpu.vector_load %arg9[%swap3A_150] {strides = array<i32>} : memref<8192xf32, #tpu.memory_space<vmem>>, vector<16xf32>,
      tpu.vector_store %arg9[%swap3A_150], %gather3A_149 {strides = array<i32>} : memref<8192xf32, #tpu.memory_space<vmem>>, vector<16xf32>,
      %mul3A_152 = arith.constant 16 : i32
      %mul3A_153 = arith.muli %scan3A_65, %mul3A_152 : i32
      %add3A_154 = arith.constant 8 : i32
      %add3A_155 = arith.addi %mul3A_153, %add3A_154 : i32
      %mul3A_156 = arith.constant 16 : i32
      %mul3A_157 = arith.muli %add3A_155, %mul3A_156 : i32
      %get3A_158 = arith.index_cast %mul3A_157 : i32 to index
      %get3A_159 = tpu.vector_load %arg7[%get3A_158] {strides = array<i32>} : memref<8192xi32, #tpu.memory_space<vmem>>, vector<16xi32>,
      %gather3A_160 = tpu.vector_load_idx %arg6[%get3A_159] : memref<100000xf32, #tpu.memory_space<vmem>>[vector<16xi32>], vector<16xf32>,
      %swap3A_161 = arith.index_cast %mul3A_157 : i32 to index
      %swap3A_162 = tpu.vector_load %arg9[%swap3A_161] {strides = array<i32>} : memref<8192xf32, #tpu.memory_space<vmem>>, vector<16xf32>,
      tpu.vector_store %arg9[%swap3A_161], %gather3A_160 {strides = array<i32>} : memref<8192xf32, #tpu.memory_space<vmem>>, vector<16xf32>,
      %mul3A_163 = arith.constant 16 : i32
      %mul3A_164 = arith.muli %scan3A_65, %mul3A_163 : i32
      %add3A_165 = arith.constant 9 : i32
      %add3A_166 = arith.addi %mul3A_164, %add3A_165 : i32
      %mul3A_167 = arith.constant 16 : i32
      %mul3A_168 = arith.muli %add3A_166, %mul3A_167 : i32
      %get3A_169 = arith.index_cast %mul3A_168 : i32 to index
      %get3A_170 = tpu.vector_load %arg7[%get3A_169] {strides = array<i32>} : memref<8192xi32, #tpu.memory_space<vmem>>, vector<16xi32>,
      %gather3A_171 = tpu.vector_load_idx %arg6[%get3A_170] : memref<100000xf32, #tpu.memory_space<vmem>>[vector<16xi32>], vector<16xf32>,
      %swap3A_172 = arith.index_cast %mul3A_168 : i32 to index
      %swap3A_173 = tpu.vector_load %arg9[%swap3A_172] {strides = array<i32>} : memref<8192xf32, #tpu.memory_space<vmem>>, vector<16xf32>,
      tpu.vector_store %arg9[%swap3A_172], %gather3A_171 {strides = array<i32>} : memref<8192xf32, #tpu.memory_space<vmem>>, vector<16xf32>,
      %mul3A_174 = arith.constant 16 : i32
      %mul3A_175 = arith.muli %scan3A_65, %mul3A_174 : i32
      %add3A_176 = arith.constant 10 : i32
      %add3A_177 = arith.addi %mul3A_175, %add3A_176 : i32
      %mul3A_178 = arith.constant 16 : i32
      %mul3A_179 = arith.muli %add3A_177, %mul3A_178 : i32
      %get3A_180 = arith.index_cast %mul3A_179 : i32 to index
      %get3A_181 = tpu.vector_load %arg7[%get3A_180] {strides = array<i32>} : memref<8192xi32, #tpu.memory_space<vmem>>, vector<16xi32>,
      %gather3A_182 = tpu.vector_load_idx %arg6[%get3A_181] : memref<100000xf32, #tpu.memory_space<vmem>>[vector<16xi32>], vector<16xf32>,
      %swap3A_183 = arith.index_cast %mul3A_179 : i32 to index
      %swap3A_184 = tpu.vector_load %arg9[%swap3A_183] {strides = array<i32>} : memref<8192xf32, #tpu.memory_space<vmem>>, vector<16xf32>,
      tpu.vector_store %arg9[%swap3A_183], %gather3A_182 {strides = array<i32>} : memref<8192xf32, #tpu.memory_space<vmem>>, vector<16xf32>,
      %mul3A_185 = arith.constant 16 : i32
      %mul3A_186 = arith.muli %scan3A_65, %mul3A_185 : i32
      %add3A_187 = arith.constant 11 : i32
      %add3A_188 = arith.addi %mul3A_186, %add3A_187 : i32
      %mul3A_189 = arith.constant 16 : i32
      %mul3A_190 = arith.muli %add3A_188, %mul3A_189 : i32
      %get3A_191 = arith.index_cast %mul3A_190 : i32 to index
      %get3A_192 = tpu.vector_load %arg7[%get3A_191] {strides = array<i32>} : memref<8192xi32, #tpu.memory_space<vmem>>, vector<16xi32>,
      %gather3A_193 = tpu.vector_load_idx %arg6[%get3A_192] : memref<100000xf32, #tpu.memory_space<vmem>>[vector<16xi32>], vector<16xf32>,
      %swap3A_194 = arith.index_cast %mul3A_190 : i32 to index
      %swap3A_195 = tpu.vector_load %arg9[%swap3A_194] {strides = array<i32>} : memref<8192xf32, #tpu.memory_space<vmem>>, vector<16xf32>,
      tpu.vector_store %arg9[%swap3A_194], %gather3A_193 {strides = array<i32>} : memref<8192xf32, #tpu.memory_space<vmem>>, vector<16xf32>,
      %mul3A_196 = arith.constant 16 : i32
      %mul3A_197 = arith.muli %scan3A_65, %mul3A_196 : i32
      %add3A_198 = arith.constant 12 : i32
      %add3A_199 = arith.addi %mul3A_197, %add3A_198 : i32
      %mul3A_200 = arith.constant 16 : i32
      %mul3A_201 = arith.muli %add3A_199, %mul3A_200 : i32
      %get3A_202 = arith.index_cast %mul3A_201 : i32 to index
      %get3A_203 = tpu.vector_load %arg7[%get3A_202] {strides = array<i32>} : memref<8192xi32, #tpu.memory_space<vmem>>, vector<16xi32>,
      %gather3A_204 = tpu.vector_load_idx %arg6[%get3A_203] : memref<100000xf32, #tpu.memory_space<vmem>>[vector<16xi32>], vector<16xf32>,
      %swap3A_205 = arith.index_cast %mul3A_201 : i32 to index
      %swap3A_206 = tpu.vector_load %arg9[%swap3A_205] {strides = array<i32>} : memref<8192xf32, #tpu.memory_space<vmem>>, vector<16xf32>,
      tpu.vector_store %arg9[%swap3A_205], %gather3A_204 {strides = array<i32>} : memref<8192xf32, #tpu.memory_space<vmem>>, vector<16xf32>,
      %mul3A_207 = arith.constant 16 : i32
      %mul3A_208 = arith.muli %scan3A_65, %mul3A_207 : i32
      %add3A_209 = arith.constant 13 : i32
      %add3A_210 = arith.addi %mul3A_208, %add3A_209 : i32
      %mul3A_211 = arith.constant 16 : i32
      %mul3A_212 = arith.muli %add3A_210, %mul3A_211 : i32
      %get3A_213 = arith.index_cast %mul3A_212 : i32 to index
      %get3A_214 = tpu.vector_load %arg7[%get3A_213] {strides = array<i32>} : memref<8192xi32, #tpu.memory_space<vmem>>, vector<16xi32>,
      %gather3A_215 = tpu.vector_load_idx %arg6[%get3A_214] : memref<100000xf32, #tpu.memory_space<vmem>>[vector<16xi32>], vector<16xf32>,
      %swap3A_216 = arith.index_cast %mul3A_212 : i32 to index
      %swap3A_217 = tpu.vector_load %arg9[%swap3A_216] {strides = array<i32>} : memref<8192xf32, #tpu.memory_space<vmem>>, vector<16xf32>,
      tpu.vector_store %arg9[%swap3A_216], %gather3A_215 {strides = array<i32>} : memref<8192xf32, #tpu.memory_space<vmem>>, vector<16xf32>,
      %mul3A_218 = arith.constant 16 : i32
      %mul3A_219 = arith.muli %scan3A_65, %mul3A_218 : i32
      %add3A_220 = arith.constant 14 : i32
      %add3A_221 = arith.addi %mul3A_219, %add3A_220 : i32
      %mul3A_222 = arith.constant 16 : i32
      %mul3A_223 = arith.muli %add3A_221, %mul3A_222 : i32
      %get3A_224 = arith.index_cast %mul3A_223 : i32 to index
      %get3A_225 = tpu.vector_load %arg7[%get3A_224] {strides = array<i32>} : memref<8192xi32, #tpu.memory_space<vmem>>, vector<16xi32>,
      %gather3A_226 = tpu.vector_load_idx %arg6[%get3A_225] : memref<100000xf32, #tpu.memory_space<vmem>>[vector<16xi32>], vector<16xf32>,
      %swap3A_227 = arith.index_cast %mul3A_223 : i32 to index
      %swap3A_228 = tpu.vector_load %arg9[%swap3A_227] {strides = array<i32>} : memref<8192xf32, #tpu.memory_space<vmem>>, vector<16xf32>,
      tpu.vector_store %arg9[%swap3A_227], %gather3A_226 {strides = array<i32>} : memref<8192xf32, #tpu.memory_space<vmem>>, vector<16xf32>,
      %mul3A_229 = arith.constant 16 : i32
      %mul3A_230 = arith.muli %scan3A_65, %mul3A_229 : i32
      %add3A_231 = arith.constant 15 : i32
      %add3A_232 = arith.addi %mul3A_230, %add3A_231 : i32
      %mul3A_233 = arith.constant 16 : i32
      %mul3A_234 = arith.muli %add3A_232, %mul3A_233 : i32
      %get3A_235 = arith.index_cast %mul3A_234 : i32 to index
      %get3A_236 = tpu.vector_load %arg7[%get3A_235] {strides = array<i32>} : memref<8192xi32, #tpu.memory_space<vmem>>, vector<16xi32>,
      %gather3A_237 = tpu.vector_load_idx %arg6[%get3A_236] : memref<100000xf32, #tpu.memory_space<vmem>>[vector<16xi32>], vector<16xf32>,
      %swap3A_238 = arith.index_cast %mul3A_234 : i32 to index
      %swap3A_239 = tpu.vector_load %arg9[%swap3A_238] {strides = array<i32>} : memref<8192xf32, #tpu.memory_space<vmem>>, vector<16xf32>,
      tpu.vector_store %arg9[%swap3A_238], %gather3A_237 {strides = array<i32>} : memref<8192xf32, #tpu.memory_space<vmem>>, vector<16xf32>,
      %scan3A_240 = arith.constant 0 : i32
      scf.yield %scan3A_240 : i32
    }
    %scan3A_55 = arith.constant 32 : i32
    %run_scoped3A_56 = arith.constant 0 : i32
    "tpu.region"() ({
      %run_scoped3A_65 = tpu.sem_alloc : memref<!tpu.dma_semaphore, #tpu.memory_space<semaphore_mem>>
      %dma_start3A_66 = arith.constant 0 : i32
      %dma_start3A_67 = tpu.memref_slice %arg5[%run_scoped3A_56, %add3A_42, %dma_start3A_66] : memref<2x64x8192xf32, #tpu.memory_space<hbm>> -> memref<1x1x8192xf32, #tpu.memory_space<hbm>>
      %dma_start3A_68 = tpu.memref_squeeze %dma_start3A_67 : memref<1x1x8192xf32, #tpu.memory_space<hbm>> -> memref<8192xf32, #tpu.memory_space<hbm>>
      %dma_start3A_69 = arith.constant 0 : i32
      %dma_start3A_70 = tpu.memref_slice %arg5[%run_scoped3A_56, %add3A_42, %dma_start3A_69] : memref<2x64x8192xf32, #tpu.memory_space<hbm>> -> memref<1x1x8192xf32, #tpu.memory_space<hbm>>
      %dma_start3A_71 = tpu.memref_squeeze %dma_start3A_70 : memref<1x1x8192xf32, #tpu.memory_space<hbm>> -> memref<8192xf32, #tpu.memory_space<hbm>>
      tpu.enqueue_dma source(%arg9 : memref<8192xf32, #tpu.memory_space<vmem>>) target(%dma_start3A_71 : memref<8192xf32, #tpu.memory_space<hbm>>) target_semaphore(%run_scoped3A_65 : memref<!tpu.dma_semaphore, #tpu.memory_space<semaphore_mem>>)
      %dma_wait3A_72 = arith.constant 0 : i32
      %dma_wait3A_73 = tpu.memref_slice %arg5[%run_scoped3A_56, %add3A_42, %dma_wait3A_72] : memref<2x64x8192xf32, #tpu.memory_space<hbm>> -> memref<1x1x8192xf32, #tpu.memory_space<hbm>>
      %dma_wait3A_74 = tpu.memref_squeeze %dma_wait3A_73 : memref<1x1x8192xf32, #tpu.memory_space<hbm>> -> memref<8192xf32, #tpu.memory_space<hbm>>
      %dma_wait3A_75 = arith.constant 0 : i32
      %dma_wait3A_76 = tpu.memref_slice %arg5[%run_scoped3A_56, %add3A_42, %dma_wait3A_75] : memref<2x64x8192xf32, #tpu.memory_space<hbm>> -> memref<1x1x8192xf32, #tpu.memory_space<hbm>>
      %dma_wait3A_77 = tpu.memref_squeeze %dma_wait3A_76 : memref<1x1x8192xf32, #tpu.memory_space<hbm>> -> memref<8192xf32, #tpu.memory_space<hbm>>
      tpu.wait_dma2 semaphore(%run_scoped3A_65 : memref<!tpu.dma_semaphore, #tpu.memory_space<semaphore_mem>>) src(%arg9 : memref<8192xf32, #tpu.memory_space<vmem>>) dst(%dma_wait3A_77 : memref<8192xf32, #tpu.memory_space<hbm>>)
      tpu.yield
    }) : () -> ()
    %scan3A_57 = arith.constant 0 : i32
    %scan3A_58 = arith.constant 0 : i32
    %scan3A_59 = arith.constant 32 : i32
    %scan3A_60 = arith.addi %scan3A_58, %scan3A_59 : i32
    %scan3A_61 = arith.constant 1 : i32
    %scan3A_62 = scf.for %scan3A_65 = %scan3A_58 to %scan3A_60 step %scan3A_61 iter_args(%scan3A_66 = %scan3A_57) -> (i32)  : i32 {
      %mul3A_67 = arith.constant 16 : i32
      %mul3A_68 = arith.muli %scan3A_65, %mul3A_67 : i32
      %add3A_69 = arith.constant 0 : i32
      %add3A_70 = arith.addi %mul3A_68, %add3A_69 : i32
      %mul3A_71 = arith.constant 16 : i32
      %mul3A_72 = arith.muli %add3A_70, %mul3A_71 : i32
      %get3A = arith.index_cast %mul3A_72 : i32 to index
      %get3A_73 = tpu.vector_load %arg8[%get3A] {strides = array<i32>} : memref<8192xi32, #tpu.memory_space<vmem>>, vector<16xi32>,
      %gather3A = tpu.vector_load_idx %arg6[%get3A_73] : memref<100000xf32, #tpu.memory_space<vmem>>[vector<16xi32>], vector<16xf32>,
      %swap3A = arith.index_cast %mul3A_72 : i32 to index
      %swap3A_74 = tpu.vector_load %arg9[%swap3A] {strides = array<i32>} : memref<8192xf32, #tpu.memory_space<vmem>>, vector<16xf32>,
      tpu.vector_store %arg9[%swap3A], %gather3A {strides = array<i32>} : memref<8192xf32, #tpu.memory_space<vmem>>, vector<16xf32>,
      %mul3A_75 = arith.constant 16 : i32
      %mul3A_76 = arith.muli %scan3A_65, %mul3A_75 : i32
      %add3A_77 = arith.constant 1 : i32
      %add3A_78 = arith.addi %mul3A_76, %add3A_77 : i32
      %mul3A_79 = arith.constant 16 : i32
      %mul3A_80 = arith.muli %add3A_78, %mul3A_79 : i32
      %get3A_81 = arith.index_cast %mul3A_80 : i32 to index
      %get3A_82 = tpu.vector_load %arg8[%get3A_81] {strides = array<i32>} : memref<8192xi32, #tpu.memory_space<vmem>>, vector<16xi32>,
      %gather3A_83 = tpu.vector_load_idx %arg6[%get3A_82] : memref<100000xf32, #tpu.memory_space<vmem>>[vector<16xi32>], vector<16xf32>,
      %swap3A_84 = arith.index_cast %mul3A_80 : i32 to index
      %swap3A_85 = tpu.vector_load %arg9[%swap3A_84] {strides = array<i32>} : memref<8192xf32, #tpu.memory_space<vmem>>, vector<16xf32>,
      tpu.vector_store %arg9[%swap3A_84], %gather3A_83 {strides = array<i32>} : memref<8192xf32, #tpu.memory_space<vmem>>, vector<16xf32>,
      %mul3A_86 = arith.constant 16 : i32
      %mul3A_87 = arith.muli %scan3A_65, %mul3A_86 : i32
      %add3A_88 = arith.constant 2 : i32
      %add3A_89 = arith.addi %mul3A_87, %add3A_88 : i32
      %mul3A_90 = arith.constant 16 : i32
      %mul3A_91 = arith.muli %add3A_89, %mul3A_90 : i32
      %get3A_92 = arith.index_cast %mul3A_91 : i32 to index
      %get3A_93 = tpu.vector_load %arg8[%get3A_92] {strides = array<i32>} : memref<8192xi32, #tpu.memory_space<vmem>>, vector<16xi32>,
      %gather3A_94 = tpu.vector_load_idx %arg6[%get3A_93] : memref<100000xf32, #tpu.memory_space<vmem>>[vector<16xi32>], vector<16xf32>,
      %swap3A_95 = arith.index_cast %mul3A_91 : i32 to index
      %swap3A_96 = tpu.vector_load %arg9[%swap3A_95] {strides = array<i32>} : memref<8192xf32, #tpu.memory_space<vmem>>, vector<16xf32>,
      tpu.vector_store %arg9[%swap3A_95], %gather3A_94 {strides = array<i32>} : memref<8192xf32, #tpu.memory_space<vmem>>, vector<16xf32>,
      %mul3A_97 = arith.constant 16 : i32
      %mul3A_98 = arith.muli %scan3A_65, %mul3A_97 : i32
      %add3A_99 = arith.constant 3 : i32
      %add3A_100 = arith.addi %mul3A_98, %add3A_99 : i32
      %mul3A_101 = arith.constant 16 : i32
      %mul3A_102 = arith.muli %add3A_100, %mul3A_101 : i32
      %get3A_103 = arith.index_cast %mul3A_102 : i32 to index
      %get3A_104 = tpu.vector_load %arg8[%get3A_103] {strides = array<i32>} : memref<8192xi32, #tpu.memory_space<vmem>>, vector<16xi32>,
      %gather3A_105 = tpu.vector_load_idx %arg6[%get3A_104] : memref<100000xf32, #tpu.memory_space<vmem>>[vector<16xi32>], vector<16xf32>,
      %swap3A_106 = arith.index_cast %mul3A_102 : i32 to index
      %swap3A_107 = tpu.vector_load %arg9[%swap3A_106] {strides = array<i32>} : memref<8192xf32, #tpu.memory_space<vmem>>, vector<16xf32>,
      tpu.vector_store %arg9[%swap3A_106], %gather3A_105 {strides = array<i32>} : memref<8192xf32, #tpu.memory_space<vmem>>, vector<16xf32>,
      %mul3A_108 = arith.constant 16 : i32
      %mul3A_109 = arith.muli %scan3A_65, %mul3A_108 : i32
      %add3A_110 = arith.constant 4 : i32
      %add3A_111 = arith.addi %mul3A_109, %add3A_110 : i32
      %mul3A_112 = arith.constant 16 : i32
      %mul3A_113 = arith.muli %add3A_111, %mul3A_112 : i32
      %get3A_114 = arith.index_cast %mul3A_113 : i32 to index
      %get3A_115 = tpu.vector_load %arg8[%get3A_114] {strides = array<i32>} : memref<8192xi32, #tpu.memory_space<vmem>>, vector<16xi32>,
      %gather3A_116 = tpu.vector_load_idx %arg6[%get3A_115] : memref<100000xf32, #tpu.memory_space<vmem>>[vector<16xi32>], vector<16xf32>,
      %swap3A_117 = arith.index_cast %mul3A_113 : i32 to index
      %swap3A_118 = tpu.vector_load %arg9[%swap3A_117] {strides = array<i32>} : memref<8192xf32, #tpu.memory_space<vmem>>, vector<16xf32>,
      tpu.vector_store %arg9[%swap3A_117], %gather3A_116 {strides = array<i32>} : memref<8192xf32, #tpu.memory_space<vmem>>, vector<16xf32>,
      %mul3A_119 = arith.constant 16 : i32
      %mul3A_120 = arith.muli %scan3A_65, %mul3A_119 : i32
      %add3A_121 = arith.constant 5 : i32
      %add3A_122 = arith.addi %mul3A_120, %add3A_121 : i32
      %mul3A_123 = arith.constant 16 : i32
      %mul3A_124 = arith.muli %add3A_122, %mul3A_123 : i32
      %get3A_125 = arith.index_cast %mul3A_124 : i32 to index
      %get3A_126 = tpu.vector_load %arg8[%get3A_125] {strides = array<i32>} : memref<8192xi32, #tpu.memory_space<vmem>>, vector<16xi32>,
      %gather3A_127 = tpu.vector_load_idx %arg6[%get3A_126] : memref<100000xf32, #tpu.memory_space<vmem>>[vector<16xi32>], vector<16xf32>,
      %swap3A_128 = arith.index_cast %mul3A_124 : i32 to index
      %swap3A_129 = tpu.vector_load %arg9[%swap3A_128] {strides = array<i32>} : memref<8192xf32, #tpu.memory_space<vmem>>, vector<16xf32>,
      tpu.vector_store %arg9[%swap3A_128], %gather3A_127 {strides = array<i32>} : memref<8192xf32, #tpu.memory_space<vmem>>, vector<16xf32>,
      %mul3A_130 = arith.constant 16 : i32
      %mul3A_131 = arith.muli %scan3A_65, %mul3A_130 : i32
      %add3A_132 = arith.constant 6 : i32
      %add3A_133 = arith.addi %mul3A_131, %add3A_132 : i32
      %mul3A_134 = arith.constant 16 : i32
      %mul3A_135 = arith.muli %add3A_133, %mul3A_134 : i32
      %get3A_136 = arith.index_cast %mul3A_135 : i32 to index
      %get3A_137 = tpu.vector_load %arg8[%get3A_136] {strides = array<i32>} : memref<8192xi32, #tpu.memory_space<vmem>>, vector<16xi32>,
      %gather3A_138 = tpu.vector_load_idx %arg6[%get3A_137] : memref<100000xf32, #tpu.memory_space<vmem>>[vector<16xi32>], vector<16xf32>,
      %swap3A_139 = arith.index_cast %mul3A_135 : i32 to index
      %swap3A_140 = tpu.vector_load %arg9[%swap3A_139] {strides = array<i32>} : memref<8192xf32, #tpu.memory_space<vmem>>, vector<16xf32>,
      tpu.vector_store %arg9[%swap3A_139], %gather3A_138 {strides = array<i32>} : memref<8192xf32, #tpu.memory_space<vmem>>, vector<16xf32>,
      %mul3A_141 = arith.constant 16 : i32
      %mul3A_142 = arith.muli %scan3A_65, %mul3A_141 : i32
      %add3A_143 = arith.constant 7 : i32
      %add3A_144 = arith.addi %mul3A_142, %add3A_143 : i32
      %mul3A_145 = arith.constant 16 : i32
      %mul3A_146 = arith.muli %add3A_144, %mul3A_145 : i32
      %get3A_147 = arith.index_cast %mul3A_146 : i32 to index
      %get3A_148 = tpu.vector_load %arg8[%get3A_147] {strides = array<i32>} : memref<8192xi32, #tpu.memory_space<vmem>>, vector<16xi32>,
      %gather3A_149 = tpu.vector_load_idx %arg6[%get3A_148] : memref<100000xf32, #tpu.memory_space<vmem>>[vector<16xi32>], vector<16xf32>,
      %swap3A_150 = arith.index_cast %mul3A_146 : i32 to index
      %swap3A_151 = tpu.vector_load %arg9[%swap3A_150] {strides = array<i32>} : memref<8192xf32, #tpu.memory_space<vmem>>, vector<16xf32>,
      tpu.vector_store %arg9[%swap3A_150], %gather3A_149 {strides = array<i32>} : memref<8192xf32, #tpu.memory_space<vmem>>, vector<16xf32>,
      %mul3A_152 = arith.constant 16 : i32
      %mul3A_153 = arith.muli %scan3A_65, %mul3A_152 : i32
      %add3A_154 = arith.constant 8 : i32
      %add3A_155 = arith.addi %mul3A_153, %add3A_154 : i32
      %mul3A_156 = arith.constant 16 : i32
      %mul3A_157 = arith.muli %add3A_155, %mul3A_156 : i32
      %get3A_158 = arith.index_cast %mul3A_157 : i32 to index
      %get3A_159 = tpu.vector_load %arg8[%get3A_158] {strides = array<i32>} : memref<8192xi32, #tpu.memory_space<vmem>>, vector<16xi32>,
      %gather3A_160 = tpu.vector_load_idx %arg6[%get3A_159] : memref<100000xf32, #tpu.memory_space<vmem>>[vector<16xi32>], vector<16xf32>,
      %swap3A_161 = arith.index_cast %mul3A_157 : i32 to index
      %swap3A_162 = tpu.vector_load %arg9[%swap3A_161] {strides = array<i32>} : memref<8192xf32, #tpu.memory_space<vmem>>, vector<16xf32>,
      tpu.vector_store %arg9[%swap3A_161], %gather3A_160 {strides = array<i32>} : memref<8192xf32, #tpu.memory_space<vmem>>, vector<16xf32>,
      %mul3A_163 = arith.constant 16 : i32
      %mul3A_164 = arith.muli %scan3A_65, %mul3A_163 : i32
      %add3A_165 = arith.constant 9 : i32
      %add3A_166 = arith.addi %mul3A_164, %add3A_165 : i32
      %mul3A_167 = arith.constant 16 : i32
      %mul3A_168 = arith.muli %add3A_166, %mul3A_167 : i32
      %get3A_169 = arith.index_cast %mul3A_168 : i32 to index
      %get3A_170 = tpu.vector_load %arg8[%get3A_169] {strides = array<i32>} : memref<8192xi32, #tpu.memory_space<vmem>>, vector<16xi32>,
      %gather3A_171 = tpu.vector_load_idx %arg6[%get3A_170] : memref<100000xf32, #tpu.memory_space<vmem>>[vector<16xi32>], vector<16xf32>,
      %swap3A_172 = arith.index_cast %mul3A_168 : i32 to index
      %swap3A_173 = tpu.vector_load %arg9[%swap3A_172] {strides = array<i32>} : memref<8192xf32, #tpu.memory_space<vmem>>, vector<16xf32>,
      tpu.vector_store %arg9[%swap3A_172], %gather3A_171 {strides = array<i32>} : memref<8192xf32, #tpu.memory_space<vmem>>, vector<16xf32>,
      %mul3A_174 = arith.constant 16 : i32
      %mul3A_175 = arith.muli %scan3A_65, %mul3A_174 : i32
      %add3A_176 = arith.constant 10 : i32
      %add3A_177 = arith.addi %mul3A_175, %add3A_176 : i32
      %mul3A_178 = arith.constant 16 : i32
      %mul3A_179 = arith.muli %add3A_177, %mul3A_178 : i32
      %get3A_180 = arith.index_cast %mul3A_179 : i32 to index
      %get3A_181 = tpu.vector_load %arg8[%get3A_180] {strides = array<i32>} : memref<8192xi32, #tpu.memory_space<vmem>>, vector<16xi32>,
      %gather3A_182 = tpu.vector_load_idx %arg6[%get3A_181] : memref<100000xf32, #tpu.memory_space<vmem>>[vector<16xi32>], vector<16xf32>,
      %swap3A_183 = arith.index_cast %mul3A_179 : i32 to index
      %swap3A_184 = tpu.vector_load %arg9[%swap3A_183] {strides = array<i32>} : memref<8192xf32, #tpu.memory_space<vmem>>, vector<16xf32>,
      tpu.vector_store %arg9[%swap3A_183], %gather3A_182 {strides = array<i32>} : memref<8192xf32, #tpu.memory_space<vmem>>, vector<16xf32>,
      %mul3A_185 = arith.constant 16 : i32
      %mul3A_186 = arith.muli %scan3A_65, %mul3A_185 : i32
      %add3A_187 = arith.constant 11 : i32
      %add3A_188 = arith.addi %mul3A_186, %add3A_187 : i32
      %mul3A_189 = arith.constant 16 : i32
      %mul3A_190 = arith.muli %add3A_188, %mul3A_189 : i32
      %get3A_191 = arith.index_cast %mul3A_190 : i32 to index
      %get3A_192 = tpu.vector_load %arg8[%get3A_191] {strides = array<i32>} : memref<8192xi32, #tpu.memory_space<vmem>>, vector<16xi32>,
      %gather3A_193 = tpu.vector_load_idx %arg6[%get3A_192] : memref<100000xf32, #tpu.memory_space<vmem>>[vector<16xi32>], vector<16xf32>,
      %swap3A_194 = arith.index_cast %mul3A_190 : i32 to index
      %swap3A_195 = tpu.vector_load %arg9[%swap3A_194] {strides = array<i32>} : memref<8192xf32, #tpu.memory_space<vmem>>, vector<16xf32>,
      tpu.vector_store %arg9[%swap3A_194], %gather3A_193 {strides = array<i32>} : memref<8192xf32, #tpu.memory_space<vmem>>, vector<16xf32>,
      %mul3A_196 = arith.constant 16 : i32
      %mul3A_197 = arith.muli %scan3A_65, %mul3A_196 : i32
      %add3A_198 = arith.constant 12 : i32
      %add3A_199 = arith.addi %mul3A_197, %add3A_198 : i32
      %mul3A_200 = arith.constant 16 : i32
      %mul3A_201 = arith.muli %add3A_199, %mul3A_200 : i32
      %get3A_202 = arith.index_cast %mul3A_201 : i32 to index
      %get3A_203 = tpu.vector_load %arg8[%get3A_202] {strides = array<i32>} : memref<8192xi32, #tpu.memory_space<vmem>>, vector<16xi32>,
      %gather3A_204 = tpu.vector_load_idx %arg6[%get3A_203] : memref<100000xf32, #tpu.memory_space<vmem>>[vector<16xi32>], vector<16xf32>,
      %swap3A_205 = arith.index_cast %mul3A_201 : i32 to index
      %swap3A_206 = tpu.vector_load %arg9[%swap3A_205] {strides = array<i32>} : memref<8192xf32, #tpu.memory_space<vmem>>, vector<16xf32>,
      tpu.vector_store %arg9[%swap3A_205], %gather3A_204 {strides = array<i32>} : memref<8192xf32, #tpu.memory_space<vmem>>, vector<16xf32>,
      %mul3A_207 = arith.constant 16 : i32
      %mul3A_208 = arith.muli %scan3A_65, %mul3A_207 : i32
      %add3A_209 = arith.constant 13 : i32
      %add3A_210 = arith.addi %mul3A_208, %add3A_209 : i32
      %mul3A_211 = arith.constant 16 : i32
      %mul3A_212 = arith.muli %add3A_210, %mul3A_211 : i32
      %get3A_213 = arith.index_cast %mul3A_212 : i32 to index
      %get3A_214 = tpu.vector_load %arg8[%get3A_213] {strides = array<i32>} : memref<8192xi32, #tpu.memory_space<vmem>>, vector<16xi32>,
      %gather3A_215 = tpu.vector_load_idx %arg6[%get3A_214] : memref<100000xf32, #tpu.memory_space<vmem>>[vector<16xi32>], vector<16xf32>,
      %swap3A_216 = arith.index_cast %mul3A_212 : i32 to index
      %swap3A_217 = tpu.vector_load %arg9[%swap3A_216] {strides = array<i32>} : memref<8192xf32, #tpu.memory_space<vmem>>, vector<16xf32>,
      tpu.vector_store %arg9[%swap3A_216], %gather3A_215 {strides = array<i32>} : memref<8192xf32, #tpu.memory_space<vmem>>, vector<16xf32>,
      %mul3A_218 = arith.constant 16 : i32
      %mul3A_219 = arith.muli %scan3A_65, %mul3A_218 : i32
      %add3A_220 = arith.constant 14 : i32
      %add3A_221 = arith.addi %mul3A_219, %add3A_220 : i32
      %mul3A_222 = arith.constant 16 : i32
      %mul3A_223 = arith.muli %add3A_221, %mul3A_222 : i32
      %get3A_224 = arith.index_cast %mul3A_223 : i32 to index
      %get3A_225 = tpu.vector_load %arg8[%get3A_224] {strides = array<i32>} : memref<8192xi32, #tpu.memory_space<vmem>>, vector<16xi32>,
      %gather3A_226 = tpu.vector_load_idx %arg6[%get3A_225] : memref<100000xf32, #tpu.memory_space<vmem>>[vector<16xi32>], vector<16xf32>,
      %swap3A_227 = arith.index_cast %mul3A_223 : i32 to index
      %swap3A_228 = tpu.vector_load %arg9[%swap3A_227] {strides = array<i32>} : memref<8192xf32, #tpu.memory_space<vmem>>, vector<16xf32>,
      tpu.vector_store %arg9[%swap3A_227], %gather3A_226 {strides = array<i32>} : memref<8192xf32, #tpu.memory_space<vmem>>, vector<16xf32>,
      %mul3A_229 = arith.constant 16 : i32
      %mul3A_230 = arith.muli %scan3A_65, %mul3A_229 : i32
      %add3A_231 = arith.constant 15 : i32
      %add3A_232 = arith.addi %mul3A_230, %add3A_231 : i32
      %mul3A_233 = arith.constant 16 : i32
      %mul3A_234 = arith.muli %add3A_232, %mul3A_233 : i32
      %get3A_235 = arith.index_cast %mul3A_234 : i32 to index
      %get3A_236 = tpu.vector_load %arg8[%get3A_235] {strides = array<i32>} : memref<8192xi32, #tpu.memory_space<vmem>>, vector<16xi32>,
      %gather3A_237 = tpu.vector_load_idx %arg6[%get3A_236] : memref<100000xf32, #tpu.memory_space<vmem>>[vector<16xi32>], vector<16xf32>,
      %swap3A_238 = arith.index_cast %mul3A_234 : i32 to index
      %swap3A_239 = tpu.vector_load %arg9[%swap3A_238] {strides = array<i32>} : memref<8192xf32, #tpu.memory_space<vmem>>, vector<16xf32>,
      tpu.vector_store %arg9[%swap3A_238], %gather3A_237 {strides = array<i32>} : memref<8192xf32, #tpu.memory_space<vmem>>, vector<16xf32>,
      %scan3A_240 = arith.constant 0 : i32
      scf.yield %scan3A_240 : i32
    }
    %scan3A_63 = arith.constant 32 : i32
    %run_scoped3A_64 = arith.constant 1 : i32
    "tpu.region"() ({
      %run_scoped3A_65 = tpu.sem_alloc : memref<!tpu.dma_semaphore, #tpu.memory_space<semaphore_mem>>
      %dma_start3A_66 = arith.constant 0 : i32
      %dma_start3A_67 = tpu.memref_slice %arg5[%run_scoped3A_64, %add3A_42, %dma_start3A_66] : memref<2x64x8192xf32, #tpu.memory_space<hbm>> -> memref<1x1x8192xf32, #tpu.memory_space<hbm>>
      %dma_start3A_68 = tpu.memref_squeeze %dma_start3A_67 : memref<1x1x8192xf32, #tpu.memory_space<hbm>> -> memref<8192xf32, #tpu.memory_space<hbm>>
      %dma_start3A_69 = arith.constant 0 : i32
      %dma_start3A_70 = tpu.memref_slice %arg5[%run_scoped3A_64, %add3A_42, %dma_start3A_69] : memref<2x64x8192xf32, #tpu.memory_space<hbm>> -> memref<1x1x8192xf32, #tpu.memory_space<hbm>>
      %dma_start3A_71 = tpu.memref_squeeze %dma_start3A_70 : memref<1x1x8192xf32, #tpu.memory_space<hbm>> -> memref<8192xf32, #tpu.memory_space<hbm>>
      tpu.enqueue_dma source(%arg9 : memref<8192xf32, #tpu.memory_space<vmem>>) target(%dma_start3A_71 : memref<8192xf32, #tpu.memory_space<hbm>>) target_semaphore(%run_scoped3A_65 : memref<!tpu.dma_semaphore, #tpu.memory_space<semaphore_mem>>)
      %dma_wait3A_72 = arith.constant 0 : i32
      %dma_wait3A_73 = tpu.memref_slice %arg5[%run_scoped3A_64, %add3A_42, %dma_wait3A_72] : memref<2x64x8192xf32, #tpu.memory_space<hbm>> -> memref<1x1x8192xf32, #tpu.memory_space<hbm>>
      %dma_wait3A_74 = tpu.memref_squeeze %dma_wait3A_73 : memref<1x1x8192xf32, #tpu.memory_space<hbm>> -> memref<8192xf32, #tpu.memory_space<hbm>>
      %dma_wait3A_75 = arith.constant 0 : i32
      %dma_wait3A_76 = tpu.memref_slice %arg5[%run_scoped3A_64, %add3A_42, %dma_wait3A_75] : memref<2x64x8192xf32, #tpu.memory_space<hbm>> -> memref<1x1x8192xf32, #tpu.memory_space<hbm>>
      %dma_wait3A_77 = tpu.memref_squeeze %dma_wait3A_76 : memref<1x1x8192xf32, #tpu.memory_space<hbm>> -> memref<8192xf32, #tpu.memory_space<hbm>>
      tpu.wait_dma2 semaphore(%run_scoped3A_65 : memref<!tpu.dma_semaphore, #tpu.memory_space<semaphore_mem>>) src(%arg9 : memref<8192xf32, #tpu.memory_space<vmem>>) dst(%dma_wait3A_77 : memref<8192xf32, #tpu.memory_space<hbm>>)
      tpu.yield
    }) : () -> ()
    return
  }
}

</mosaic_0001>

<sc_bundles>
// kernel: kernel.3.cloned.1.call-start
scs
__scs_entry_jumppad:
0x0: {  	(pc) =	sbr.rel $0x88, $3  }
0x1: {  	(tag) =	ssettag $0x0;
	lr =	simm.s32 $0x1  }
0x2: {  	[smem:$0x3F9E] =	sst lr;
	_ =	strace $0xD0000000  }
0x3: {  	_ = 	snop  }
0x4: {  	_ = 	snop  }
0x5: {  	_ = 	snop  }
0x6: {  	_ = 	snop  }
0x7: {  	_ = 	snop  }
__scs_overlays_trampoline_lowered:
0x8: {  	[smem:$0x3FAD] =	sst s0  }
0x9: {  	[smem:$0x3FAE] =	sst s1  }
0xa: {  	[smem:$0x3FAF] =	sst s2  }
0xb: {  	[smem:$0x3FB0] =	sst s3  }
0xc: {  	[smem:$0x3FB1] =	sst s4  }
0xd: {  	[smem:$0x3FB2] =	sst s5  }
0xe: {  	[smem:$0x3FB3] =	sst s6  }
0xf: {  	[smem:$0x3FB4] =	sst s7  }
0x10: {  	[smem:$0x3FB5] =	sst s8  }
0x11: {  	[smem:$0x3FB6] =	sst s9;
	s0 =	simm.s32 @!p0 $0x0  }
0x12: {  	s1 =	sld [smem:$0x3F9C];
	s0 =	simm.s32 @p0 $0x1  }
0x13: {  	[smem:$0x3FB7] =	sst s0;
	s0 =	simm.s32 @!p1 $0x0  }
0x14: {  	s2 =	sld [smem:$0x3F9B];
	s0 =	simm.s32 @p1 $0x1  }
0x15: {  	[smem:$0x3FB8] =	sst s0;
	s0 =	simm.s32 @!p2 $0x0  }
0x16: {  	s3 =	sld [smem:$0x3FDB];
	s0 =	simm.s32 @p2 $0x1  }
0x17: {  	s4 =	simm.s32 $0x1BF5;
	[smem:$0x3FBA] =	sst s0  }
0x18: {  	s0 =	sld [smem:$0x3F9D];
	_ =	swait.ge [sflag:s4], $0x0  }
0x19: {  	s7 =	sld [smem:$0x3F9E]  }
0x1a: {  	s8 =	sadd.s32 $0xFFFFE003, lr  }
0x1b: {  	s9 =	sadd.s32 $0xFFFFFEF7, lr;
	s5 =	simm.s32 $0xFFFFFFFF;
	p2 =	slt.u32 s8, $0xFFFFF086  }
0x1c: {  	p1 =	slt.u32 s9, $0xF7A;
	s5 =	simm.s32 @!p2 $0x0  }
0x1d: {  	s5 =	simm.s32 @p1 $0x1;
	p0 =	seq.s32 s7, s2  }
0x1e: {  	s7 =	smul.u32 @!p0 $0xF7A, s2;
	p2 =	seq.s32 @!p0 s5, $0x0  }
0x1f: {  	s9 =	smul.u32 $0xF7A, s1;
	s8 =	simm.s32 @!p0 $0x1BF5;
	p2 =	por !p2, p0  }
0x20: {  	[sflag:s8] =	ssyncset.s32 @!p0 $0xFFFFF086;
	s6 =	sadd.s32 @!p0 s3, s7;
	s7 =	simm.s32 @!p0 $0x108  }
0x21: {  	s3 =	sadd.s32 s3, s9;
	s6 =	sadd.s32 @!p0 $0x88, s6;
	s7 =	simm.s32 @p2 $0x1082  }
0x22: {  	[simem:s7], [sflag:s8] =	dma.local @!p0 [hbm:s6], $0xF7A  }
0x23: {  	s9 =	sor.u32 $0xD0000000, s2;
	s6 =	simm.s32 $0x108;
	_ =	swait.ge @!p0 [sflag:s8], $0x0  }
0x24: {  	s3 =	sadd.s32 $0x88, s3;
	s6 =	simm.s32 @!p1 $0x1082;
	[sflag:s4] =	ssyncset.s32 $0xFFFFF086  }
0x25: {  	[simem:s6], [sflag:s4] =	dma.local [hbm:s3], $0xF7A  }
0x26: {  	[smem:$0x3F9E] =	sst s1;
	(tag) =	ssettag s2;
	_ =	strace s9  }
0x27: {  	s1 =	sld [smem:$0x3FAE]  }
0x28: {  	s2 =	sld [smem:$0x3FAF]  }
0x29: {  	s4 =	sld [smem:$0x3FB1]  }
0x2a: {  	p0 =	seq.s32 s5, $0x0;
	s5 =	sld [smem:$0x3FB2]  }
0x2b: {  	s6 =	sld [smem:$0x3FB3]  }
0x2c: {  	s7 =	sld [smem:$0x3FB4]  }
0x2d: {  	s3 =	simm.s32 $0x108;
	s8 =	sld [smem:$0x3FB5]  }
0x2e: {  	s3 =	simm.s32 @!p0 $0x1082;
	s9 =	sld [smem:$0x3FB6]  }
0x2f: {  	lr =	sadd.s32 s0, s3;
	s0 =	sld [smem:$0x3FAD]  }
0x30: {  	s3 =	sld [smem:$0x3FB0]  }
0x31: {  	[smem:$0x3FB9] =	sst s10  }
0x32: {  	s10 =	sld [smem:$0x3FB7];
	_ =	sdelay $0x3  }
0x33: {  	p0 =	seq.s32 s10, $0x1;
	s10 =	sld [smem:$0x3FB9];
	_ =	sdelay $0x3  }
0x34: {  	[smem:$0x3FB9] =	sst s10  }
0x35: {  	s10 =	sld [smem:$0x3FB8];
	_ =	sdelay $0x3  }
0x36: {  	p1 =	seq.s32 s10, $0x1;
	s10 =	sld [smem:$0x3FB9];
	_ =	sdelay $0x3  }
0x37: {  	[smem:$0x3FB9] =	sst s10  }
0x38: {  	s10 =	sld [smem:$0x3FBA]  }
0x39: {  	_ = 	snop;
	(pc) =	sbr.ind lr, $3  }
0x3a: {  	_ = 	snop  }
0x3b: {  	_ = 	snop  }
0x3c: {  	p2 =	seq.s32 s10, $0x1;
	s10 =	sld [smem:$0x3FB9]  }
0x3d: {  	_ =	shalt  }
0x3e: {  	_ =	shalt  }
0x3f: {  	_ =	shalt  }
0x40: {  	_ =	shalt  }
0x41: {  	_ =	shalt  }
0x42: {  	_ =	shalt  }
0x43: {  	_ =	shalt  }
0x44: {  	_ =	shalt  }
0x45: {  	_ =	shalt  }
0x46: {  	_ =	shalt  }
0x47: {  	_ =	shalt  }
0x48: {  	_ =	shalt  }
0x49: {  	_ =	shalt  }
0x4a: {  	_ =	shalt  }
0x4b: {  	_ =	shalt  }
0x4c: {  	_ =	shalt  }
0x4d: {  	_ =	shalt  }
0x4e: {  	_ =	shalt  }
0x4f: {  	_ =	shalt  }
0x50: {  	_ =	shalt  }
0x51: {  	_ =	shalt  }
0x52: {  	_ =	shalt  }
0x53: {  	_ =	shalt  }
0x54: {  	_ =	shalt  }
0x55: {  	_ =	shalt  }
0x56: {  	_ =	shalt  }
0x57: {  	_ =	shalt  }
0x58: {  	_ =	shalt  }
0x59: {  	_ =	shalt  }
0x5a: {  	_ =	shalt  }
0x5b: {  	_ =	shalt  }
0x5c: {  	_ =	shalt  }
0x5d: {  	_ =	shalt  }
0x5e: {  	_ =	shalt  }
0x5f: {  	_ =	shalt  }
0x60: {  	_ =	shalt  }
0x61: {  	_ =	shalt  }
0x62: {  	_ =	shalt  }
0x63: {  	_ =	shalt  }
0x64: {  	_ =	shalt  }
0x65: {  	_ =	shalt  }
0x66: {  	_ =	shalt  }
0x67: {  	_ =	shalt  }
0x68: {  	_ =	shalt  }
0x69: {  	_ =	shalt  }
0x6a: {  	_ =	shalt  }
0x6b: {  	_ =	shalt  }
0x6c: {  	_ =	shalt  }
0x6d: {  	_ =	shalt  }
0x6e: {  	_ =	shalt  }
0x6f: {  	_ =	shalt  }
0x70: {  	_ =	shalt  }
0x71: {  	_ =	shalt  }
0x72: {  	_ =	shalt  }
0x73: {  	_ =	shalt  }
0x74: {  	_ =	shalt  }
0x75: {  	_ =	shalt  }
0x76: {  	_ =	shalt  }
0x77: {  	_ =	shalt  }
0x78: {  	_ =	shalt  }
0x79: {  	_ =	shalt  }
0x7a: {  	_ =	shalt  }
0x7b: {  	_ =	shalt  }
0x7c: {  	_ =	shalt  }
0x7d: {  	_ =	shalt  }
0x7e: {  	_ =	shalt  }
0x7f: {  	_ =	shalt  }
0x80: {  	_ =	shalt  }
0x81: {  	_ =	shalt  }
0x82: {  	_ =	shalt  }
0x83: {  	_ =	shalt  }
0x84: {  	_ =	shalt  }
0x85: {  	_ =	shalt  }
0x86: {  	_ =	shalt  }
0x87: {  	_ =	shalt  }
.Lfunc_end0:
.L_simem_size_0:
called_computation_lowered:
.L_overlay_start_0:
0x88: {  	s2 =	sld [smem:$0x3FD9]  }
0x89: {  	s3 =	sld [smem:$0x3FFE];
	_ =	sdelay $0x1  }
0x8a: {  	s1 =	srdreg.scid  }
0x8b: {  	s0 =	sand.u32 $0x1, s1  }
0x8c: {  	s17 =	sshll.u32 s0, $0xA;
	s2 =	sadd.s32 s3, s2  }
0x8d: {  	s2 =	sadd.s32 s2, s17  }
0x8e: {  	[smem:$0x3FC5] =	sst s2  }
0x8f: {  	_ = 	snop  }
0x90: {  	s2 =	sld [smem:$0x3FC9]  }
0x91: {  	s18 =	sld [smem:$0x3FC7]  }
0x92: {  	s4 =	sld [smem:$0x3FD0];
	(tm) =	ssettm $0x1  }
0x93: {  	s5 =	sld [smem:$0x3FFB];
	_ =	sdelay $0x3  }
0x94: {  	_ =	strace s5  }
0x95: {  	s5 =	sld [smem:$0x3FFC];
	_ =	sdelay $0x3  }
0x96: {  	_ =	strace s5  }
0x97: {  	s5 =	sld [smem:$0x3FFD];
	_ =	sdelay $0x3  }
0x98: {  	_ =	strace s5  }
0x99: {  	_ =	strace $0x8FFFFFFF  }
0x9a: {  	s19 =	sld [smem:$0x3FDB];
	_ =	sdelay $0x1  }
0x9b: {  	s6 =	simm.s32 $_scs_section_size  }
0x9c: {  	s7 =	simm.s32 $_size__tile_overlayer_lowered;
	s8 =	simm.s32 $_tile_overlayer_lowered  }
0x9d: {  	s22 =	simm.s32 $0x1BFF;
	s21 =	sshll.u32 s8, $0x1;
	s5 =	sadd.s32 s6, s19  }
0x9e: {  	s9 =	simm.s32 $0x0;
	s20 =	sshll.u32 s7, $0x1;
	s7 =	sadd.s32 s21, s5  }
0x9f: {  	[timem:s9], [sflag:s22] =	dma.local [hbm:s7], s20  }
0xa0: {  	_ =	swait.ge [sflag:s22], s20  }
0xa1: {  	s6 =	ssub.s32 $0x0, s20;
	[sflag:s22] =	ssyncset.done $0x0  }
0xa2: {  	[sflag:s22] =	ssyncadd.s32 s6;
	_ =	sdelay $0x1  }
0xa3: {  	s23 =	simm.s32 $0x1B8B  }
0xa4: {  	_ =	swait.ge [sflag:s23], $0x1  }
0xa5: {  	[sflag:s23] =	ssyncset.done $0x0  }
0xa6: {  	s25 =	simm.s32 $0x1B8E;
	s24 =	sld [smem:$0x3FFE];
	[sflag:s23] =	ssyncadd.s32 $0xFFFFFFFF  }
0xa7: {  	s26 =	simm.s32 $execute0_lowered;
	[smem:$0x3FD2] =	sst s25  }
0xa8: {  	s7 =	sshll.u32 s26, $0x1;
	_ =	strace $0x80000046;
	[dreg:$0x1] =	wrdreg $0xFFFFFFFF  }
0xa9: {  	s28 =	simm.s32 $_size_execute0_lowered;
	s5 =	sadd.s32 s5, s7;
	[dreg:$0x0] =	wrdreg $0x0  }
0xaa: {  	s7 =	sshll.u32 s28, $0x1;
	[dreg:$0x2] =	wrdreg s5  }
0xab: {  	[dreg:$0x3] =	wrdreg s7  }
0xac: {  	[dreg:$0x4] =	wrdreg $0xC0  }
0xad: {  	_ =	task [dreg:s9], $0x5FFFF  }
0xae: {  	[dreg:$0x1] =	wrdreg $0xFFFFFFFF  }
0xaf: {  	[dreg:$0x0] =	wrdreg $0x60  }
0xb0: {  	[dreg:$0x2] =	wrdreg s2  }
0xb1: {  	[dreg:$0x3] =	wrdreg s24  }
0xb2: {  	[dreg:$0x4] =	wrdreg s18  }
0xb3: {  	[dreg:$0x5] =	wrdreg s4  }
0xb4: {  	[dreg:$0x6] =	wrdreg $0x9  }
0xb5: {  	_ =	task.clear_ibuf [dreg:s9], $0x7FFFF;
	_ =	strace $0x90000046  }
0xb6: {  	s29 =	simm.s32 $0x9;
	_ =	strace $0x80000048  }
0xb7: {  	_ =	swait.ge [sflag:s29], $0x1  }
0xb8: {  	[sflag:s29] =	ssyncadd.s32 $0xFFFFFFFF  }
0xb9: {  	_ =	strace $0x90000048  }
0xba: {  	_ =	sfence  }
0xbb: {  	s30 =	sld [smem:$0x0];
	_ =	sdelay $0x2  }
0xbc: {  	s31 =	sshll.u32 s1, $0xD;
	s1 =	sshrl.u32 s1, $0x2  }
0xbd: {  	s3 =	sand.u32 $0x4000, s31;
	s1 =	sadd.s32 s1, s30  }
0xbe: {  	s0 =	sor.u32 s3, s0;
	s1 =	sshll.u32 s1, $0x11  }
0xbf: {  	s0 =	sor.u32 s1, s0  }
0xc0: {  	s0 =	sadd.s32 $0x8F2B, s0  }
0xc1: {  	[sflag:s0] =	ssyncadd.remote.s32 $0x1  }
0xc2: {  	_ =	sfence.sel $0xFFFF  }
0xc3: {  	[dreg:$0x0] =	wrdreg $0xFFFFFFFF;
	(pc) =	sbr.abs _section_cstart, $3  }
0xc4: {  	[dreg:$0x1] =	wrdreg $0xFFFFFFFF  }
0xc5: {  	_ =	task.clear_ibuf [dreg:s9], $0x2FFFF;
	_ =	strace $0x9FFFFFFF  }
0xc6: {  	(tm) =	ssettm $0x7FFFFFFF  }
0xc7: {  	_ =	shalt  }
tec
execute0_lowered:
.L_overlay_start_1:
0x0: {  	(tag) =	ssettag $0x1  }
0x1: {  	s1 =	rddreg [dreg:$0x0]  }
0x2: {  	s4 =	rddreg [dreg:$0x1]  }
0x3: {  	s7 =	rddreg [dreg:$0x2]  }
0x4: {  	s10 =	rddreg [dreg:$0x3]  }
0x5: {  	s0 =	rddreg [dreg:$0x4];
	s3 =	simm.s32 $0x0;
	s5 =	srdreg.scid  }
0x6: {  	s2 =	stileid.u32;
	s15 =	simm.s32 $0x400;
	s16 =	simm.s32 $0x2  }
0x7: {  	s17 =	simm.s32 $0x1;
	s18 =	simm.s32 $0x1C700;
	s19 =	simm.s32 $0x3  }
0x8: {  	s20 =	simm.s32 $0x0;
	[smem:$0x7FF] =	sst s3;
	s5 =	sand.u32 $0x1, s5  }
0x9: {  	s8 =	sshll.u32 s2, $0x9;
	s9 =	sshrl.u32 s2, $0x1;
	s4 =	sadd.s32 $0x400, s4  }
0xa: {  	s6 =	ssub.s32 $0x2, s5;
	s5 =	sshll.u32 s5, $0x8;
	s8 =	sand.u32 $0x200, s8  }
0xb: {  	s11 =	smul.u32 $0xC3800, s9;
	_ =	strace $0x80000047;
	s9 =	sshll.u32 s9, $0x10  }
0xc: {  	s12 =	sshrl.u32 s6, $0x1;
	s8 =	sor.u32 s5, s8;
	s14 =	sor.u32 $0x80000, s9  }
0xd: {  	s12 =	ssub.s32 s6, s12;
	s5 =	sor.u32 s11, s8;
	s13 =	sor.u32 $0x80, s8  }
0xe: {  	s30 =	sor.u32 s9, s8;
	s8 =	sor.u32 s8, s14;
	s5 =	sshrl.u32 s5, $0x3  }
0xf: {  	s11 =	sor.u32 s11, s13;
	s6 =	sshrl.u32 s30, $0x3;
	s8 =	sshrl.u32 s8, $0x3  }
0x10: {  	s9 =	sor.u32 s9, s13;
	s31 =	sor.u32 s14, s13;
	s13 =	simm.s32 $0x1A700  }
0x11: {  	s14 =	simm.s32 $0x80;
	s5 =	sadd.s32 s7, s5;
	s11 =	sshrl.u32 s11, $0x3  }
0x12: {  	s6 =	sadd.s32 s10, s6;
	s8 =	sadd.s32 s10, s8;
	s9 =	sshrl.u32 s9, $0x3  }
0x13: {  	s7 =	sadd.s32 s7, s11;
	s11 =	sshrl.u32 s31, $0x3;
	s9 =	sadd.s32 s10, s9  }
0x14: {  	s10 =	sadd.s32 s10, s11;
	s11 =	smax.u32 s12, $0x1;
	s12 =	simm.s32 $0x18700  }
.LBB2_1:
0x15: {  	[tilespmem:s12], [sflag:$0x2] =	stream.linear.gather [hbm4b:s1+s3], $0x2000, $0x38;
	[tilespmem:$0x1E700] =	vst v63  }
0x16: {  	_ = 	snop  }
0x17: {  	[tilespmem:s13], [sflag:$0x2] =	stream.linear.gather [hbm4b:s4+s3], $0x2000, $0x38;
	[tilespmem:$0x1E700] =	vst v63  }
0x18: {  	_ = 	snop  }
0x19: {  	[tilespmem:s3], [sflag:$0x1] =	stream.strided.gather [hbm4b:s5+s14], $0x18700, s15, s14, $0x38;
	[tilespmem:$0x1E700] =	vst v63  }
0x1a: {  	_ =	swait.ge [sflag:s16], $0x2000  }
0x1b: {  	[sflag:s16] =	ssyncset.done $0x0  }
0x1c: {  	[sflag:s16] =	ssyncadd.s32 $0xFFFFE000  }
0x1d: {  	_ =	swait.ge [sflag:s16], $0x2000  }
0x1e: {  	[sflag:s16] =	ssyncset.done $0x0  }
0x1f: {  	[sflag:s16] =	ssyncadd.s32 $0xFFFFE000  }
0x20: {  	_ =	swait.ge [sflag:s17], $0x18700  }
0x21: {  	[sflag:s17] =	ssyncset.done $0x0  }
0x22: {  	s21 =	simm.s32 $0x0;
	[sflag:s17] =	ssyncadd.s32 $0xFFFE7900  }
0x23: {  	v0 =	vld [tilespmem:s21+$0x18700];
	_ =	sdelay $0x5  }
0x24: {  	v1 =	vld [tilespmem:s21+$0x18710];
	_ =	sdelay $0x1  }
0x25: {  	v0 =	vld.idx.msk [tilespmem:v0+s3+$0x0], $0xffff;
	_ =	sdelay $0x4  }
0x26: {  	[tilespmem:s21+$0x1C700] =	vst v0;
	v0 =	vld [tilespmem:s21+$0x18720]  }
0x27: {  	v1 =	vld.idx.msk [tilespmem:v1+s3+$0x0], $0xffff;
	_ =	sdelay $0x4  }
0x28: {  	[tilespmem:s21+$0x1C710] =	vst v1;
	v1 =	vld [tilespmem:s21+$0x18730];
	_ =	sdelay $0x1  }
0x29: {  	v0 =	vld.idx.msk [tilespmem:v0+s3+$0x0], $0xffff;
	_ =	sdelay $0x4  }
0x2a: {  	[tilespmem:s21+$0x1C720] =	vst v0;
	v0 =	vld [tilespmem:s21+$0x18740]  }
0x2b: {  	v1 =	vld.idx.msk [tilespmem:v1+s3+$0x0], $0xffff;
	_ =	sdelay $0x4  }
0x2c: {  	[tilespmem:s21+$0x1C730] =	vst v1;
	v1 =	vld [tilespmem:s21+$0x18750];
	_ =	sdelay $0x1  }
0x2d: {  	v0 =	vld.idx.msk [tilespmem:v0+s3+$0x0], $0xffff;
	_ =	sdelay $0x4  }
0x2e: {  	[tilespmem:s21+$0x1C740] =	vst v0;
	v0 =	vld [tilespmem:s21+$0x18760]  }
0x2f: {  	v1 =	vld.idx.msk [tilespmem:v1+s3+$0x0], $0xffff;
	_ =	sdelay $0x4  }
0x30: {  	[tilespmem:s21+$0x1C750] =	vst v1;
	v1 =	vld [tilespmem:s21+$0x18770];
	_ =	sdelay $0x1  }
0x31: {  	v0 =	vld.idx.msk [tilespmem:v0+s3+$0x0], $0xffff;
	_ =	sdelay $0x4  }
0x32: {  	[tilespmem:s21+$0x1C760] =	vst v0;
	v0 =	vld [tilespmem:s21+$0x18780]  }
0x33: {  	v1 =	vld.idx.msk [tilespmem:v1+s3+$0x0], $0xffff;
	_ =	sdelay $0x4  }
0x34: {  	[tilespmem:s21+$0x1C770] =	vst v1;
	v1 =	vld [tilespmem:s21+$0x18790];
	_ =	sdelay $0x1  }
0x35: {  	v0 =	vld.idx.msk [tilespmem:v0+s3+$0x0], $0xffff;
	_ =	sdelay $0x4  }
0x36: {  	[tilespmem:s21+$0x1C780] =	vst v0;
	v0 =	vld [tilespmem:s21+$0x187A0]  }
0x37: {  	v1 =	vld.idx.msk [tilespmem:v1+s3+$0x0], $0xffff;
	_ =	sdelay $0x4  }
0x38: {  	[tilespmem:s21+$0x1C790] =	vst v1;
	v1 =	vld [tilespmem:s21+$0x187B0];
	_ =	sdelay $0x1  }
0x39: {  	v0 =	vld.idx.msk [tilespmem:v0+s3+$0x0], $0xffff;
	_ =	sdelay $0x4  }
0x3a: {  	[tilespmem:s21+$0x1C7A0] =	vst v0;
	v0 =	vld [tilespmem:s21+$0x187C0]  }
0x3b: {  	v1 =	vld.idx.msk [tilespmem:v1+s3+$0x0], $0xffff;
	_ =	sdelay $0x4  }
0x3c: {  	[tilespmem:s21+$0x1C7B0] =	vst v1;
	v1 =	vld [tilespmem:s21+$0x187D0];
	_ =	sdelay $0x1  }
0x3d: {  	v0 =	vld.idx.msk [tilespmem:v0+s3+$0x0], $0xffff;
	_ =	sdelay $0x4  }
0x3e: {  	v2 =	vld [tilespmem:s21+$0x187E0];
	[tilespmem:s21+$0x1C7C0] =	vst v0  }
0x3f: {  	v0 =	vld.idx.msk [tilespmem:v1+s3+$0x0], $0xffff;
	_ =	sdelay $0x4  }
0x40: {  	[tilespmem:s21+$0x1C7D0] =	vst v0;
	v0 =	vld [tilespmem:s21+$0x187F0];
	_ =	sdelay $0x1  }
0x41: {  	v1 =	vld.idx.msk [tilespmem:v2+s3+$0x0], $0xffff;
	_ =	sdelay $0x3  }
0x42: {  	s23 =	simm.s32 $0x100;
	s22 =	simm.s32 $0x800  }
.LBB2_2:
0x43: {  	p0 =	sne.s32 s22, $0x7C00;
	v2 =	vld [tilespmem:s23+$0x18700];
	[tilespmem:s21+$0x1C7E0] =	vst v1  }
0x44: {  	v0 =	vld.idx.msk [tilespmem:v0+s3+$0x0], $0xffff;
	_ =	sdelay $0x5  }
0x45: {  	v1 =	vld [tilespmem:s23+$0x18710];
	[tilespmem:s21+$0x1C7F0] =	vst v0;
	s21 =	smov.u32 s23  }
0x46: {  	v0 =	vld.idx.msk [tilespmem:v2+s3+$0x0], $0xffff;
	_ =	sdelay $0x5  }
0x47: {  	[tilespmem:s21+$0x1C700] =	vst v0;
	v0 =	vld [tilespmem:s21+$0x18720]  }
0x48: {  	v1 =	vld.idx.msk [tilespmem:v1+s3+$0x0], $0xffff;
	_ =	sdelay $0x5  }
0x49: {  	[tilespmem:s21+$0x1C710] =	vst v1;
	v1 =	vld [tilespmem:s21+$0x18730]  }
0x4a: {  	v0 =	vld.idx.msk [tilespmem:v0+s3+$0x0], $0xffff;
	_ =	sdelay $0x5  }
0x4b: {  	[tilespmem:s21+$0x1C720] =	vst v0;
	v0 =	vld [tilespmem:s21+$0x18740]  }
0x4c: {  	v1 =	vld.idx.msk [tilespmem:v1+s3+$0x0], $0xffff;
	_ =	sdelay $0x5  }
0x4d: {  	[tilespmem:s21+$0x1C730] =	vst v1;
	v1 =	vld [tilespmem:s21+$0x18750]  }
0x4e: {  	v0 =	vld.idx.msk [tilespmem:v0+s3+$0x0], $0xffff;
	_ =	sdelay $0x5  }
0x4f: {  	[tilespmem:s21+$0x1C740] =	vst v0;
	v0 =	vld [tilespmem:s21+$0x18760]  }
0x50: {  	v1 =	vld.idx.msk [tilespmem:v1+s3+$0x0], $0xffff;
	_ =	sdelay $0x5  }
0x51: {  	[tilespmem:s21+$0x1C750] =	vst v1;
	v1 =	vld [tilespmem:s21+$0x18770]  }
0x52: {  	v0 =	vld.idx.msk [tilespmem:v0+s3+$0x0], $0xffff;
	_ =	sdelay $0x5  }
0x53: {  	[tilespmem:s21+$0x1C760] =	vst v0;
	v0 =	vld [tilespmem:s21+$0x18780]  }
0x54: {  	v1 =	vld.idx.msk [tilespmem:v1+s3+$0x0], $0xffff;
	_ =	sdelay $0x5  }
0x55: {  	[tilespmem:s21+$0x1C770] =	vst v1;
	v1 =	vld [tilespmem:s21+$0x18790]  }
0x56: {  	v0 =	vld.idx.msk [tilespmem:v0+s3+$0x0], $0xffff;
	_ =	sdelay $0x5  }
0x57: {  	[tilespmem:s21+$0x1C780] =	vst v0;
	v0 =	vld [tilespmem:s21+$0x187A0]  }
0x58: {  	v1 =	vld.idx.msk [tilespmem:v1+s3+$0x0], $0xffff;
	_ =	sdelay $0x5  }
0x59: {  	[tilespmem:s21+$0x1C790] =	vst v1;
	v1 =	vld [tilespmem:s21+$0x187B0]  }
0x5a: {  	v0 =	vld.idx.msk [tilespmem:v0+s3+$0x0], $0xffff;
	_ =	sdelay $0x5  }
0x5b: {  	[tilespmem:s21+$0x1C7A0] =	vst v0;
	v0 =	vld [tilespmem:s21+$0x187C0]  }
0x5c: {  	v1 =	vld.idx.msk [tilespmem:v1+s3+$0x0], $0xffff;
	_ =	sdelay $0x5  }
0x5d: {  	[tilespmem:s21+$0x1C7B0] =	vst v1;
	v1 =	vld [tilespmem:s21+$0x187D0]  }
0x5e: {  	v0 =	vld.idx.msk [tilespmem:v0+s3+$0x0], $0xffff;
	_ =	sdelay $0x5  }
0x5f: {  	[tilespmem:s21+$0x1C7C0] =	vst v0;
	v2 =	vld [tilespmem:s21+$0x187E0]  }
0x60: {  	v0 =	vld.idx.msk [tilespmem:v1+s3+$0x0], $0xffff;
	_ =	sdelay $0x5  }
0x61: {  	[tilespmem:s21+$0x1C7D0] =	vst v0;
	v0 =	vld [tilespmem:s21+$0x187F0]  }
0x62: {  	v1 =	vld.idx.msk [tilespmem:v2+s3+$0x0], $0xffff  }
.Ltmp0:
0x63: {  	(pc) =	sbr.rel @p0 .LBB2_2-.Ltmp0, $2  }
0x64: {  	_ =	sdelay $0x2  }
0x65: {  	s23 =	sshra.s32 s22, $0x2;
	s22 =	sadd.s32 $0x400, s22  }
0x66: {  	_ =	sdelay $0x1  }
0x67: {  	v2 =	vld [tilespmem:s23+$0x18700]  }
0x68: {  	[tilespmem:s21+$0x1C7E0] =	vst v1  }
0x69: {  	v0 =	vld.idx.msk [tilespmem:v0+s3+$0x0], $0xffff;
	_ =	sdelay $0x3  }
0x6a: {  	v1 =	vld [tilespmem:s23+$0x18710]  }
0x6b: {  	[tilespmem:s21+$0x1C7F0] =	vst v0  }
0x6c: {  	v0 =	vld.idx.msk [tilespmem:v2+s3+$0x0], $0xffff;
	_ =	sdelay $0x4  }
0x6d: {  	[tilespmem:s23+$0x1C700] =	vst v0;
	v0 =	vld [tilespmem:s23+$0x18720]  }
0x6e: {  	v1 =	vld.idx.msk [tilespmem:v1+s3+$0x0], $0xffff;
	_ =	sdelay $0x4  }
0x6f: {  	[tilespmem:s23+$0x1C710] =	vst v1;
	v1 =	vld [tilespmem:s23+$0x18730];
	_ =	sdelay $0x1  }
0x70: {  	v0 =	vld.idx.msk [tilespmem:v0+s3+$0x0], $0xffff;
	_ =	sdelay $0x4  }
0x71: {  	[tilespmem:s23+$0x1C720] =	vst v0;
	v0 =	vld [tilespmem:s23+$0x18740]  }
0x72: {  	v1 =	vld.idx.msk [tilespmem:v1+s3+$0x0], $0xffff;
	_ =	sdelay $0x4  }
0x73: {  	[tilespmem:s23+$0x1C730] =	vst v1;
	v1 =	vld [tilespmem:s23+$0x18750];
	_ =	sdelay $0x1  }
0x74: {  	v0 =	vld.idx.msk [tilespmem:v0+s3+$0x0], $0xffff;
	_ =	sdelay $0x4  }
0x75: {  	[tilespmem:s23+$0x1C740] =	vst v0;
	v0 =	vld [tilespmem:s23+$0x18760]  }
0x76: {  	v1 =	vld.idx.msk [tilespmem:v1+s3+$0x0], $0xffff;
	_ =	sdelay $0x4  }
0x77: {  	[tilespmem:s23+$0x1C750] =	vst v1;
	v1 =	vld [tilespmem:s23+$0x18770];
	_ =	sdelay $0x1  }
0x78: {  	v0 =	vld.idx.msk [tilespmem:v0+s3+$0x0], $0xffff;
	_ =	sdelay $0x4  }
0x79: {  	[tilespmem:s23+$0x1C760] =	vst v0;
	v0 =	vld [tilespmem:s23+$0x18780]  }
0x7a: {  	v1 =	vld.idx.msk [tilespmem:v1+s3+$0x0], $0xffff;
	_ =	sdelay $0x4  }
0x7b: {  	[tilespmem:s23+$0x1C770] =	vst v1;
	v1 =	vld [tilespmem:s23+$0x18790];
	_ =	sdelay $0x1  }
0x7c: {  	v0 =	vld.idx.msk [tilespmem:v0+s3+$0x0], $0xffff;
	_ =	sdelay $0x4  }
0x7d: {  	[tilespmem:s23+$0x1C780] =	vst v0;
	v0 =	vld [tilespmem:s23+$0x187A0]  }
0x7e: {  	v1 =	vld.idx.msk [tilespmem:v1+s3+$0x0], $0xffff;
	_ =	sdelay $0x4  }
0x7f: {  	[tilespmem:s23+$0x1C790] =	vst v1;
	v1 =	vld [tilespmem:s23+$0x187B0];
	_ =	sdelay $0x1  }
0x80: {  	v0 =	vld.idx.msk [tilespmem:v0+s3+$0x0], $0xffff;
	_ =	sdelay $0x4  }
0x81: {  	[tilespmem:s23+$0x1C7A0] =	vst v0;
	v0 =	vld [tilespmem:s23+$0x187C0]  }
0x82: {  	v1 =	vld.idx.msk [tilespmem:v1+s3+$0x0], $0xffff;
	_ =	sdelay $0x4  }
0x83: {  	[tilespmem:s23+$0x1C7B0] =	vst v1;
	v1 =	vld [tilespmem:s23+$0x187D0];
	_ =	sdelay $0x1  }
0x84: {  	v0 =	vld.idx.msk [tilespmem:v0+s3+$0x0], $0xffff;
	_ =	sdelay $0x4  }
0x85: {  	[tilespmem:s23+$0x1C7C0] =	vst v0;
	v0 =	vld [tilespmem:s23+$0x187E0]  }
0x86: {  	v1 =	vld.idx.msk [tilespmem:v1+s3+$0x0], $0xffff;
	_ =	sdelay $0x4  }
0x87: {  	[tilespmem:s23+$0x1C7D0] =	vst v1;
	v1 =	vld [tilespmem:s23+$0x187F0];
	_ =	sdelay $0x1  }
0x88: {  	v0 =	vld.idx.msk [tilespmem:v0+s3+$0x0], $0xffff;
	_ =	sdelay $0x4  }
0x89: {  	[tilespmem:s23+$0x1C7E0] =	vst v0  }
0x8a: {  	v0 =	vld.idx.msk [tilespmem:v1+s3+$0x0], $0xffff;
	_ =	sdelay $0x4  }
0x8b: {  	[tilespmem:s23+$0x1C7F0] =	vst v0  }
0x8c: {  	[hbm4b:s6+s14] =	stream.strided.scatter [tilespmem:s18], [sflag:$0x3], $0x2000, s15, s14, $0x38;
	[tilespmem:$0x1E700] =	vst v63  }
0x8d: {  	_ =	swait.ge [sflag:s19], $0x2000  }
0x8e: {  	[sflag:s19] =	ssyncset.done $0x0  }
0x8f: {  	s21 =	simm.s32 $0x0;
	[sflag:s19] =	ssyncadd.s32 $0xFFFFE000  }
0x90: {  	v0 =	vld [tilespmem:s21+$0x1A700];
	_ =	sdelay $0x5  }
0x91: {  	v1 =	vld [tilespmem:s21+$0x1A710];
	_ =	sdelay $0x1  }
0x92: {  	v0 =	vld.idx.msk [tilespmem:v0+s3+$0x0], $0xffff;
	_ =	sdelay $0x4  }
0x93: {  	[tilespmem:s21+$0x1C700] =	vst v0;
	v0 =	vld [tilespmem:s21+$0x1A720]  }
0x94: {  	v1 =	vld.idx.msk [tilespmem:v1+s3+$0x0], $0xffff;
	_ =	sdelay $0x4  }
0x95: {  	[tilespmem:s21+$0x1C710] =	vst v1;
	v1 =	vld [tilespmem:s21+$0x1A730];
	_ =	sdelay $0x1  }
0x96: {  	v0 =	vld.idx.msk [tilespmem:v0+s3+$0x0], $0xffff;
	_ =	sdelay $0x4  }
0x97: {  	[tilespmem:s21+$0x1C720] =	vst v0;
	v0 =	vld [tilespmem:s21+$0x1A740]  }
0x98: {  	v1 =	vld.idx.msk [tilespmem:v1+s3+$0x0], $0xffff;
	_ =	sdelay $0x4  }
0x99: {  	[tilespmem:s21+$0x1C730] =	vst v1;
	v1 =	vld [tilespmem:s21+$0x1A750];
	_ =	sdelay $0x1  }
0x9a: {  	v0 =	vld.idx.msk [tilespmem:v0+s3+$0x0], $0xffff;
	_ =	sdelay $0x4  }
0x9b: {  	[tilespmem:s21+$0x1C740] =	vst v0;
	v0 =	vld [tilespmem:s21+$0x1A760]  }
0x9c: {  	v1 =	vld.idx.msk [tilespmem:v1+s3+$0x0], $0xffff;
	_ =	sdelay $0x4  }
0x9d: {  	[tilespmem:s21+$0x1C750] =	vst v1;
	v1 =	vld [tilespmem:s21+$0x1A770];
	_ =	sdelay $0x1  }
0x9e: {  	v0 =	vld.idx.msk [tilespmem:v0+s3+$0x0], $0xffff;
	_ =	sdelay $0x4  }
0x9f: {  	[tilespmem:s21+$0x1C760] =	vst v0;
	v0 =	vld [tilespmem:s21+$0x1A780]  }
0xa0: {  	v1 =	vld.idx.msk [tilespmem:v1+s3+$0x0], $0xffff;
	_ =	sdelay $0x4  }
0xa1: {  	[tilespmem:s21+$0x1C770] =	vst v1;
	v1 =	vld [tilespmem:s21+$0x1A790];
	_ =	sdelay $0x1  }
0xa2: {  	v0 =	vld.idx.msk [tilespmem:v0+s3+$0x0], $0xffff;
	_ =	sdelay $0x4  }
0xa3: {  	[tilespmem:s21+$0x1C780] =	vst v0;
	v0 =	vld [tilespmem:s21+$0x1A7A0]  }
0xa4: {  	v1 =	vld.idx.msk [tilespmem:v1+s3+$0x0], $0xffff;
	_ =	sdelay $0x4  }
0xa5: {  	[tilespmem:s21+$0x1C790] =	vst v1;
	v1 =	vld [tilespmem:s21+$0x1A7B0];
	_ =	sdelay $0x1  }
0xa6: {  	v0 =	vld.idx.msk [tilespmem:v0+s3+$0x0], $0xffff;
	_ =	sdelay $0x4  }
0xa7: {  	[tilespmem:s21+$0x1C7A0] =	vst v0;
	v0 =	vld [tilespmem:s21+$0x1A7C0]  }
0xa8: {  	v1 =	vld.idx.msk [tilespmem:v1+s3+$0x0], $0xffff;
	_ =	sdelay $0x4  }
0xa9: {  	[tilespmem:s21+$0x1C7B0] =	vst v1;
	v1 =	vld [tilespmem:s21+$0x1A7D0];
	_ =	sdelay $0x1  }
0xaa: {  	v0 =	vld.idx.msk [tilespmem:v0+s3+$0x0], $0xffff;
	_ =	sdelay $0x4  }
0xab: {  	v2 =	vld [tilespmem:s21+$0x1A7E0];
	[tilespmem:s21+$0x1C7C0] =	vst v0  }
0xac: {  	v0 =	vld.idx.msk [tilespmem:v1+s3+$0x0], $0xffff;
	_ =	sdelay $0x4  }
0xad: {  	[tilespmem:s21+$0x1C7D0] =	vst v0;
	v0 =	vld [tilespmem:s21+$0x1A7F0];
	_ =	sdelay $0x1  }
0xae: {  	v1 =	vld.idx.msk [tilespmem:v2+s3+$0x0], $0xffff;
	_ =	sdelay $0x3  }
0xaf: {  	s22 =	simm.s32 $0x800;
	s23 =	simm.s32 $0x100  }
.LBB2_4:
0xb0: {  	p0 =	sne.s32 s22, $0x7C00;
	v2 =	vld [tilespmem:s23+$0x1A700];
	[tilespmem:s21+$0x1C7E0] =	vst v1  }
0xb1: {  	v0 =	vld.idx.msk [tilespmem:v0+s3+$0x0], $0xffff;
	_ =	sdelay $0x5  }
0xb2: {  	v1 =	vld [tilespmem:s23+$0x1A710];
	[tilespmem:s21+$0x1C7F0] =	vst v0;
	s21 =	smov.u32 s23  }
0xb3: {  	v0 =	vld.idx.msk [tilespmem:v2+s3+$0x0], $0xffff;
	_ =	sdelay $0x5  }
0xb4: {  	[tilespmem:s21+$0x1C700] =	vst v0;
	v0 =	vld [tilespmem:s21+$0x1A720]  }
0xb5: {  	v1 =	vld.idx.msk [tilespmem:v1+s3+$0x0], $0xffff;
	_ =	sdelay $0x5  }
0xb6: {  	[tilespmem:s21+$0x1C710] =	vst v1;
	v1 =	vld [tilespmem:s21+$0x1A730]  }
0xb7: {  	v0 =	vld.idx.msk [tilespmem:v0+s3+$0x0], $0xffff;
	_ =	sdelay $0x5  }
0xb8: {  	[tilespmem:s21+$0x1C720] =	vst v0;
	v0 =	vld [tilespmem:s21+$0x1A740]  }
0xb9: {  	v1 =	vld.idx.msk [tilespmem:v1+s3+$0x0], $0xffff;
	_ =	sdelay $0x5  }
0xba: {  	[tilespmem:s21+$0x1C730] =	vst v1;
	v1 =	vld [tilespmem:s21+$0x1A750]  }
0xbb: {  	v0 =	vld.idx.msk [tilespmem:v0+s3+$0x0], $0xffff;
	_ =	sdelay $0x5  }
0xbc: {  	[tilespmem:s21+$0x1C740] =	vst v0;
	v0 =	vld [tilespmem:s21+$0x1A760]  }
0xbd: {  	v1 =	vld.idx.msk [tilespmem:v1+s3+$0x0], $0xffff;
	_ =	sdelay $0x5  }
0xbe: {  	[tilespmem:s21+$0x1C750] =	vst v1;
	v1 =	vld [tilespmem:s21+$0x1A770]  }
0xbf: {  	v0 =	vld.idx.msk [tilespmem:v0+s3+$0x0], $0xffff;
	_ =	sdelay $0x5  }
0xc0: {  	[tilespmem:s21+$0x1C760] =	vst v0;
	v0 =	vld [tilespmem:s21+$0x1A780]  }
0xc1: {  	v1 =	vld.idx.msk [tilespmem:v1+s3+$0x0], $0xffff;
	_ =	sdelay $0x5  }
0xc2: {  	[tilespmem:s21+$0x1C770] =	vst v1;
	v1 =	vld [tilespmem:s21+$0x1A790]  }
0xc3: {  	v0 =	vld.idx.msk [tilespmem:v0+s3+$0x0], $0xffff;
	_ =	sdelay $0x5  }
0xc4: {  	[tilespmem:s21+$0x1C780] =	vst v0;
	v0 =	vld [tilespmem:s21+$0x1A7A0]  }
0xc5: {  	v1 =	vld.idx.msk [tilespmem:v1+s3+$0x0], $0xffff;
	_ =	sdelay $0x5  }
0xc6: {  	[tilespmem:s21+$0x1C790] =	vst v1;
	v1 =	vld [tilespmem:s21+$0x1A7B0]  }
0xc7: {  	v0 =	vld.idx.msk [tilespmem:v0+s3+$0x0], $0xffff;
	_ =	sdelay $0x5  }
0xc8: {  	[tilespmem:s21+$0x1C7A0] =	vst v0;
	v0 =	vld [tilespmem:s21+$0x1A7C0]  }
0xc9: {  	v1 =	vld.idx.msk [tilespmem:v1+s3+$0x0], $0xffff;
	_ =	sdelay $0x5  }
0xca: {  	[tilespmem:s21+$0x1C7B0] =	vst v1;
	v1 =	vld [tilespmem:s21+$0x1A7D0]  }
0xcb: {  	v0 =	vld.idx.msk [tilespmem:v0+s3+$0x0], $0xffff;
	_ =	sdelay $0x5  }
0xcc: {  	[tilespmem:s21+$0x1C7C0] =	vst v0;
	v2 =	vld [tilespmem:s21+$0x1A7E0]  }
0xcd: {  	v0 =	vld.idx.msk [tilespmem:v1+s3+$0x0], $0xffff;
	_ =	sdelay $0x5  }
0xce: {  	[tilespmem:s21+$0x1C7D0] =	vst v0;
	v0 =	vld [tilespmem:s21+$0x1A7F0]  }
0xcf: {  	v1 =	vld.idx.msk [tilespmem:v2+s3+$0x0], $0xffff  }
.Ltmp1:
0xd0: {  	(pc) =	sbr.rel @p0 .LBB2_4-.Ltmp1, $2  }
0xd1: {  	_ =	sdelay $0x2  }
0xd2: {  	s23 =	sshra.s32 s22, $0x2;
	s22 =	sadd.s32 $0x400, s22  }
0xd3: {  	_ =	sdelay $0x1  }
0xd4: {  	v2 =	vld [tilespmem:s23+$0x1A700]  }
0xd5: {  	[tilespmem:s21+$0x1C7E0] =	vst v1  }
0xd6: {  	v0 =	vld.idx.msk [tilespmem:v0+s3+$0x0], $0xffff;
	_ =	sdelay $0x3  }
0xd7: {  	v1 =	vld [tilespmem:s23+$0x1A710]  }
0xd8: {  	[tilespmem:s21+$0x1C7F0] =	vst v0  }
0xd9: {  	v0 =	vld.idx.msk [tilespmem:v2+s3+$0x0], $0xffff;
	_ =	sdelay $0x4  }
0xda: {  	[tilespmem:s23+$0x1C700] =	vst v0;
	v0 =	vld [tilespmem:s23+$0x1A720]  }
0xdb: {  	v1 =	vld.idx.msk [tilespmem:v1+s3+$0x0], $0xffff;
	_ =	sdelay $0x4  }
0xdc: {  	[tilespmem:s23+$0x1C710] =	vst v1;
	v1 =	vld [tilespmem:s23+$0x1A730];
	_ =	sdelay $0x1  }
0xdd: {  	v0 =	vld.idx.msk [tilespmem:v0+s3+$0x0], $0xffff;
	_ =	sdelay $0x4  }
0xde: {  	[tilespmem:s23+$0x1C720] =	vst v0;
	v0 =	vld [tilespmem:s23+$0x1A740]  }
0xdf: {  	v1 =	vld.idx.msk [tilespmem:v1+s3+$0x0], $0xffff;
	_ =	sdelay $0x4  }
0xe0: {  	[tilespmem:s23+$0x1C730] =	vst v1;
	v1 =	vld [tilespmem:s23+$0x1A750];
	_ =	sdelay $0x1  }
0xe1: {  	v0 =	vld.idx.msk [tilespmem:v0+s3+$0x0], $0xffff;
	_ =	sdelay $0x4  }
0xe2: {  	[tilespmem:s23+$0x1C740] =	vst v0;
	v0 =	vld [tilespmem:s23+$0x1A760]  }
0xe3: {  	v1 =	vld.idx.msk [tilespmem:v1+s3+$0x0], $0xffff;
	_ =	sdelay $0x4  }
0xe4: {  	[tilespmem:s23+$0x1C750] =	vst v1;
	v1 =	vld [tilespmem:s23+$0x1A770];
	_ =	sdelay $0x1  }
0xe5: {  	v0 =	vld.idx.msk [tilespmem:v0+s3+$0x0], $0xffff;
	_ =	sdelay $0x4  }
0xe6: {  	[tilespmem:s23+$0x1C760] =	vst v0;
	v0 =	vld [tilespmem:s23+$0x1A780]  }
0xe7: {  	v1 =	vld.idx.msk [tilespmem:v1+s3+$0x0], $0xffff;
	_ =	sdelay $0x4  }
0xe8: {  	[tilespmem:s23+$0x1C770] =	vst v1;
	v1 =	vld [tilespmem:s23+$0x1A790];
	_ =	sdelay $0x1  }
0xe9: {  	v0 =	vld.idx.msk [tilespmem:v0+s3+$0x0], $0xffff;
	_ =	sdelay $0x4  }
0xea: {  	[tilespmem:s23+$0x1C780] =	vst v0;
	v0 =	vld [tilespmem:s23+$0x1A7A0]  }
0xeb: {  	v1 =	vld.idx.msk [tilespmem:v1+s3+$0x0], $0xffff;
	_ =	sdelay $0x4  }
0xec: {  	[tilespmem:s23+$0x1C790] =	vst v1;
	v1 =	vld [tilespmem:s23+$0x1A7B0];
	_ =	sdelay $0x1  }
0xed: {  	v0 =	vld.idx.msk [tilespmem:v0+s3+$0x0], $0xffff;
	_ =	sdelay $0x4  }
0xee: {  	[tilespmem:s23+$0x1C7A0] =	vst v0;
	v0 =	vld [tilespmem:s23+$0x1A7C0]  }
0xef: {  	v1 =	vld.idx.msk [tilespmem:v1+s3+$0x0], $0xffff;
	_ =	sdelay $0x4  }
0xf0: {  	[tilespmem:s23+$0x1C7B0] =	vst v1;
	v1 =	vld [tilespmem:s23+$0x1A7D0];
	_ =	sdelay $0x1  }
0xf1: {  	v0 =	vld.idx.msk [tilespmem:v0+s3+$0x0], $0xffff;
	_ =	sdelay $0x4  }
0xf2: {  	[tilespmem:s23+$0x1C7C0] =	vst v0;
	v0 =	vld [tilespmem:s23+$0x1A7E0]  }
0xf3: {  	v1 =	vld.idx.msk [tilespmem:v1+s3+$0x0], $0xffff;
	_ =	sdelay $0x4  }
0xf4: {  	[tilespmem:s23+$0x1C7D0] =	vst v1;
	v1 =	vld [tilespmem:s23+$0x1A7F0];
	_ =	sdelay $0x1  }
0xf5: {  	v0 =	vld.idx.msk [tilespmem:v0+s3+$0x0], $0xffff;
	_ =	sdelay $0x4  }
0xf6: {  	[tilespmem:s23+$0x1C7E0] =	vst v0  }
0xf7: {  	v0 =	vld.idx.msk [tilespmem:v1+s3+$0x0], $0xffff;
	_ =	sdelay $0x4  }
0xf8: {  	s31 =	simm.s32 $0x0;
	[tilespmem:s23+$0x1C7F0] =	vst v0  }
0xf9: {  	[tilespmem:s31], [sflag:$0x1] =	stream.strided.gather [hbm4b:s7+s14], $0x18700, s15, s14, $0x38;
	[tilespmem:$0x1E700] =	vst v63  }
0xfa: {  	_ = 	snop  }
0xfb: {  	[hbm4b:s8+s14] =	stream.strided.scatter [tilespmem:s18], [sflag:$0x3], $0x2000, s15, s14, $0x38;
	[tilespmem:$0x1E700] =	vst v63  }
0xfc: {  	_ =	swait.ge [sflag:s19], $0x2000  }
0xfd: {  	[sflag:s19] =	ssyncset.done $0x0  }
0xfe: {  	[sflag:s19] =	ssyncadd.s32 $0xFFFFE000  }
0xff: {  	_ =	swait.ge [sflag:s17], $0x18700  }
0x100: {  	[sflag:s17] =	ssyncset.done $0x0  }
0x101: {  	s21 =	simm.s32 $0x0;
	[sflag:s17] =	ssyncadd.s32 $0xFFFE7900  }
0x102: {  	v0 =	vld [tilespmem:s21+$0x18700];
	_ =	sdelay $0x5  }
0x103: {  	v1 =	vld [tilespmem:s21+$0x18710];
	_ =	sdelay $0x1  }
0x104: {  	v0 =	vld.idx.msk [tilespmem:v0+s3+$0x0], $0xffff;
	_ =	sdelay $0x4  }
0x105: {  	[tilespmem:s21+$0x1C700] =	vst v0;
	v0 =	vld [tilespmem:s21+$0x18720]  }
0x106: {  	v1 =	vld.idx.msk [tilespmem:v1+s3+$0x0], $0xffff;
	_ =	sdelay $0x4  }
0x107: {  	[tilespmem:s21+$0x1C710] =	vst v1;
	v1 =	vld [tilespmem:s21+$0x18730];
	_ =	sdelay $0x1  }
0x108: {  	v0 =	vld.idx.msk [tilespmem:v0+s3+$0x0], $0xffff;
	_ =	sdelay $0x4  }
0x109: {  	[tilespmem:s21+$0x1C720] =	vst v0;
	v0 =	vld [tilespmem:s21+$0x18740]  }
0x10a: {  	v1 =	vld.idx.msk [tilespmem:v1+s3+$0x0], $0xffff;
	_ =	sdelay $0x4  }
0x10b: {  	[tilespmem:s21+$0x1C730] =	vst v1;
	v1 =	vld [tilespmem:s21+$0x18750];
	_ =	sdelay $0x1  }
0x10c: {  	v0 =	vld.idx.msk [tilespmem:v0+s3+$0x0], $0xffff;
	_ =	sdelay $0x4  }
0x10d: {  	[tilespmem:s21+$0x1C740] =	vst v0;
	v0 =	vld [tilespmem:s21+$0x18760]  }
0x10e: {  	v1 =	vld.idx.msk [tilespmem:v1+s3+$0x0], $0xffff;
	_ =	sdelay $0x4  }
0x10f: {  	[tilespmem:s21+$0x1C750] =	vst v1;
	v1 =	vld [tilespmem:s21+$0x18770];
	_ =	sdelay $0x1  }
0x110: {  	v0 =	vld.idx.msk [tilespmem:v0+s3+$0x0], $0xffff;
	_ =	sdelay $0x4  }
0x111: {  	[tilespmem:s21+$0x1C760] =	vst v0;
	v0 =	vld [tilespmem:s21+$0x18780]  }
0x112: {  	v1 =	vld.idx.msk [tilespmem:v1+s3+$0x0], $0xffff;
	_ =	sdelay $0x4  }
0x113: {  	[tilespmem:s21+$0x1C770] =	vst v1;
	v1 =	vld [tilespmem:s21+$0x18790];
	_ =	sdelay $0x1  }
0x114: {  	v0 =	vld.idx.msk [tilespmem:v0+s3+$0x0], $0xffff;
	_ =	sdelay $0x4  }
0x115: {  	[tilespmem:s21+$0x1C780] =	vst v0;
	v0 =	vld [tilespmem:s21+$0x187A0]  }
0x116: {  	v1 =	vld.idx.msk [tilespmem:v1+s3+$0x0], $0xffff;
	_ =	sdelay $0x4  }
0x117: {  	[tilespmem:s21+$0x1C790] =	vst v1;
	v1 =	vld [tilespmem:s21+$0x187B0];
	_ =	sdelay $0x1  }
0x118: {  	v0 =	vld.idx.msk [tilespmem:v0+s3+$0x0], $0xffff;
	_ =	sdelay $0x4  }
0x119: {  	[tilespmem:s21+$0x1C7A0] =	vst v0;
	v0 =	vld [tilespmem:s21+$0x187C0]  }
0x11a: {  	v1 =	vld.idx.msk [tilespmem:v1+s3+$0x0], $0xffff;
	_ =	sdelay $0x4  }
0x11b: {  	[tilespmem:s21+$0x1C7B0] =	vst v1;
	v1 =	vld [tilespmem:s21+$0x187D0];
	_ =	sdelay $0x1  }
0x11c: {  	v0 =	vld.idx.msk [tilespmem:v0+s3+$0x0], $0xffff;
	_ =	sdelay $0x4  }
0x11d: {  	v2 =	vld [tilespmem:s21+$0x187E0];
	[tilespmem:s21+$0x1C7C0] =	vst v0  }
0x11e: {  	v0 =	vld.idx.msk [tilespmem:v1+s3+$0x0], $0xffff;
	_ =	sdelay $0x4  }
0x11f: {  	[tilespmem:s21+$0x1C7D0] =	vst v0;
	v0 =	vld [tilespmem:s21+$0x187F0];
	_ =	sdelay $0x1  }
0x120: {  	v1 =	vld.idx.msk [tilespmem:v2+s3+$0x0], $0xffff;
	_ =	sdelay $0x3  }
0x121: {  	s22 =	simm.s32 $0x800;
	s23 =	simm.s32 $0x100  }
.LBB2_6:
0x122: {  	p0 =	sne.s32 s22, $0x7C00;
	v2 =	vld [tilespmem:s23+$0x18700];
	[tilespmem:s21+$0x1C7E0] =	vst v1  }
0x123: {  	v0 =	vld.idx.msk [tilespmem:v0+s3+$0x0], $0xffff;
	_ =	sdelay $0x5  }
0x124: {  	v1 =	vld [tilespmem:s23+$0x18710];
	[tilespmem:s21+$0x1C7F0] =	vst v0;
	s21 =	smov.u32 s23  }
0x125: {  	v0 =	vld.idx.msk [tilespmem:v2+s3+$0x0], $0xffff;
	_ =	sdelay $0x5  }
0x126: {  	[tilespmem:s21+$0x1C700] =	vst v0;
	v0 =	vld [tilespmem:s21+$0x18720]  }
0x127: {  	v1 =	vld.idx.msk [tilespmem:v1+s3+$0x0], $0xffff;
	_ =	sdelay $0x5  }
0x128: {  	[tilespmem:s21+$0x1C710] =	vst v1;
	v1 =	vld [tilespmem:s21+$0x18730]  }
0x129: {  	v0 =	vld.idx.msk [tilespmem:v0+s3+$0x0], $0xffff;
	_ =	sdelay $0x5  }
0x12a: {  	[tilespmem:s21+$0x1C720] =	vst v0;
	v0 =	vld [tilespmem:s21+$0x18740]  }
0x12b: {  	v1 =	vld.idx.msk [tilespmem:v1+s3+$0x0], $0xffff;
	_ =	sdelay $0x5  }
0x12c: {  	[tilespmem:s21+$0x1C730] =	vst v1;
	v1 =	vld [tilespmem:s21+$0x18750]  }
0x12d: {  	v0 =	vld.idx.msk [tilespmem:v0+s3+$0x0], $0xffff;
	_ =	sdelay $0x5  }
0x12e: {  	[tilespmem:s21+$0x1C740] =	vst v0;
	v0 =	vld [tilespmem:s21+$0x18760]  }
0x12f: {  	v1 =	vld.idx.msk [tilespmem:v1+s3+$0x0], $0xffff;
	_ =	sdelay $0x5  }
0x130: {  	[tilespmem:s21+$0x1C750] =	vst v1;
	v1 =	vld [tilespmem:s21+$0x18770]  }
0x131: {  	v0 =	vld.idx.msk [tilespmem:v0+s3+$0x0], $0xffff;
	_ =	sdelay $0x5  }
0x132: {  	[tilespmem:s21+$0x1C760] =	vst v0;
	v0 =	vld [tilespmem:s21+$0x18780]  }
0x133: {  	v1 =	vld.idx.msk [tilespmem:v1+s3+$0x0], $0xffff;
	_ =	sdelay $0x5  }
0x134: {  	[tilespmem:s21+$0x1C770] =	vst v1;
	v1 =	vld [tilespmem:s21+$0x18790]  }
0x135: {  	v0 =	vld.idx.msk [tilespmem:v0+s3+$0x0], $0xffff;
	_ =	sdelay $0x5  }
0x136: {  	[tilespmem:s21+$0x1C780] =	vst v0;
	v0 =	vld [tilespmem:s21+$0x187A0]  }
0x137: {  	v1 =	vld.idx.msk [tilespmem:v1+s3+$0x0], $0xffff;
	_ =	sdelay $0x5  }
0x138: {  	[tilespmem:s21+$0x1C790] =	vst v1;
	v1 =	vld [tilespmem:s21+$0x187B0]  }
0x139: {  	v0 =	vld.idx.msk [tilespmem:v0+s3+$0x0], $0xffff;
	_ =	sdelay $0x5  }
0x13a: {  	[tilespmem:s21+$0x1C7A0] =	vst v0;
	v0 =	vld [tilespmem:s21+$0x187C0]  }
0x13b: {  	v1 =	vld.idx.msk [tilespmem:v1+s3+$0x0], $0xffff;
	_ =	sdelay $0x5  }
0x13c: {  	[tilespmem:s21+$0x1C7B0] =	vst v1;
	v1 =	vld [tilespmem:s21+$0x187D0]  }
0x13d: {  	v0 =	vld.idx.msk [tilespmem:v0+s3+$0x0], $0xffff;
	_ =	sdelay $0x5  }
0x13e: {  	[tilespmem:s21+$0x1C7C0] =	vst v0;
	v2 =	vld [tilespmem:s21+$0x187E0]  }
0x13f: {  	v0 =	vld.idx.msk [tilespmem:v1+s3+$0x0], $0xffff;
	_ =	sdelay $0x5  }
0x140: {  	[tilespmem:s21+$0x1C7D0] =	vst v0;
	v0 =	vld [tilespmem:s21+$0x187F0]  }
0x141: {  	v1 =	vld.idx.msk [tilespmem:v2+s3+$0x0], $0xffff  }
.Ltmp2:
0x142: {  	(pc) =	sbr.rel @p0 .LBB2_6-.Ltmp2, $2  }
0x143: {  	_ =	sdelay $0x2  }
0x144: {  	s23 =	sshra.s32 s22, $0x2;
	s22 =	sadd.s32 $0x400, s22  }
0x145: {  	_ =	sdelay $0x1  }
0x146: {  	v2 =	vld [tilespmem:s23+$0x18700]  }
0x147: {  	[tilespmem:s21+$0x1C7E0] =	vst v1  }
0x148: {  	v0 =	vld.idx.msk [tilespmem:v0+s3+$0x0], $0xffff;
	_ =	sdelay $0x3  }
0x149: {  	v1 =	vld [tilespmem:s23+$0x18710]  }
0x14a: {  	[tilespmem:s21+$0x1C7F0] =	vst v0  }
0x14b: {  	v0 =	vld.idx.msk [tilespmem:v2+s3+$0x0], $0xffff;
	_ =	sdelay $0x4  }
0x14c: {  	[tilespmem:s23+$0x1C700] =	vst v0;
	v0 =	vld [tilespmem:s23+$0x18720]  }
0x14d: {  	v1 =	vld.idx.msk [tilespmem:v1+s3+$0x0], $0xffff;
	_ =	sdelay $0x4  }
0x14e: {  	[tilespmem:s23+$0x1C710] =	vst v1;
	v1 =	vld [tilespmem:s23+$0x18730];
	_ =	sdelay $0x1  }
0x14f: {  	v0 =	vld.idx.msk [tilespmem:v0+s3+$0x0], $0xffff;
	_ =	sdelay $0x4  }
0x150: {  	[tilespmem:s23+$0x1C720] =	vst v0;
	v0 =	vld [tilespmem:s23+$0x18740]  }
0x151: {  	v1 =	vld.idx.msk [tilespmem:v1+s3+$0x0], $0xffff;
	_ =	sdelay $0x4  }
0x152: {  	[tilespmem:s23+$0x1C730] =	vst v1;
	v1 =	vld [tilespmem:s23+$0x18750];
	_ =	sdelay $0x1  }
0x153: {  	v0 =	vld.idx.msk [tilespmem:v0+s3+$0x0], $0xffff;
	_ =	sdelay $0x4  }
0x154: {  	[tilespmem:s23+$0x1C740] =	vst v0;
	v0 =	vld [tilespmem:s23+$0x18760]  }
0x155: {  	v1 =	vld.idx.msk [tilespmem:v1+s3+$0x0], $0xffff;
	_ =	sdelay $0x4  }
0x156: {  	[tilespmem:s23+$0x1C750] =	vst v1;
	v1 =	vld [tilespmem:s23+$0x18770];
	_ =	sdelay $0x1  }
0x157: {  	v0 =	vld.idx.msk [tilespmem:v0+s3+$0x0], $0xffff;
	_ =	sdelay $0x4  }
0x158: {  	[tilespmem:s23+$0x1C760] =	vst v0;
	v0 =	vld [tilespmem:s23+$0x18780]  }
0x159: {  	v1 =	vld.idx.msk [tilespmem:v1+s3+$0x0], $0xffff;
	_ =	sdelay $0x4  }
0x15a: {  	[tilespmem:s23+$0x1C770] =	vst v1;
	v1 =	vld [tilespmem:s23+$0x18790];
	_ =	sdelay $0x1  }
0x15b: {  	v0 =	vld.idx.msk [tilespmem:v0+s3+$0x0], $0xffff;
	_ =	sdelay $0x4  }
0x15c: {  	[tilespmem:s23+$0x1C780] =	vst v0;
	v0 =	vld [tilespmem:s23+$0x187A0]  }
0x15d: {  	v1 =	vld.idx.msk [tilespmem:v1+s3+$0x0], $0xffff;
	_ =	sdelay $0x4  }
0x15e: {  	[tilespmem:s23+$0x1C790] =	vst v1;
	v1 =	vld [tilespmem:s23+$0x187B0];
	_ =	sdelay $0x1  }
0x15f: {  	v0 =	vld.idx.msk [tilespmem:v0+s3+$0x0], $0xffff;
	_ =	sdelay $0x4  }
0x160: {  	[tilespmem:s23+$0x1C7A0] =	vst v0;
	v0 =	vld [tilespmem:s23+$0x187C0]  }
0x161: {  	v1 =	vld.idx.msk [tilespmem:v1+s3+$0x0], $0xffff;
	_ =	sdelay $0x4  }
0x162: {  	[tilespmem:s23+$0x1C7B0] =	vst v1;
	v1 =	vld [tilespmem:s23+$0x187D0];
	_ =	sdelay $0x1  }
0x163: {  	v0 =	vld.idx.msk [tilespmem:v0+s3+$0x0], $0xffff;
	_ =	sdelay $0x4  }
0x164: {  	[tilespmem:s23+$0x1C7C0] =	vst v0;
	v0 =	vld [tilespmem:s23+$0x187E0]  }
0x165: {  	v1 =	vld.idx.msk [tilespmem:v1+s3+$0x0], $0xffff;
	_ =	sdelay $0x4  }
0x166: {  	[tilespmem:s23+$0x1C7D0] =	vst v1;
	v1 =	vld [tilespmem:s23+$0x187F0];
	_ =	sdelay $0x1  }
0x167: {  	v0 =	vld.idx.msk [tilespmem:v0+s3+$0x0], $0xffff;
	_ =	sdelay $0x4  }
0x168: {  	[tilespmem:s23+$0x1C7E0] =	vst v0  }
0x169: {  	v0 =	vld.idx.msk [tilespmem:v1+s3+$0x0], $0xffff;
	_ =	sdelay $0x4  }
0x16a: {  	[tilespmem:s23+$0x1C7F0] =	vst v0  }
0x16b: {  	[hbm4b:s9+s14] =	stream.strided.scatter [tilespmem:s18], [sflag:$0x3], $0x2000, s15, s14, $0x38;
	[tilespmem:$0x1E700] =	vst v63  }
0x16c: {  	_ =	swait.ge [sflag:s19], $0x2000  }
0x16d: {  	[sflag:s19] =	ssyncset.done $0x0  }
0x16e: {  	s21 =	simm.s32 $0x0;
	[sflag:s19] =	ssyncadd.s32 $0xFFFFE000  }
0x16f: {  	v0 =	vld [tilespmem:s21+$0x1A700];
	_ =	sdelay $0x5  }
0x170: {  	v1 =	vld [tilespmem:s21+$0x1A710];
	_ =	sdelay $0x1  }
0x171: {  	v0 =	vld.idx.msk [tilespmem:v0+s3+$0x0], $0xffff;
	_ =	sdelay $0x4  }
0x172: {  	[tilespmem:s21+$0x1C700] =	vst v0;
	v0 =	vld [tilespmem:s21+$0x1A720]  }
0x173: {  	v1 =	vld.idx.msk [tilespmem:v1+s3+$0x0], $0xffff;
	_ =	sdelay $0x4  }
0x174: {  	[tilespmem:s21+$0x1C710] =	vst v1;
	v1 =	vld [tilespmem:s21+$0x1A730];
	_ =	sdelay $0x1  }
0x175: {  	v0 =	vld.idx.msk [tilespmem:v0+s3+$0x0], $0xffff;
	_ =	sdelay $0x4  }
0x176: {  	[tilespmem:s21+$0x1C720] =	vst v0;
	v0 =	vld [tilespmem:s21+$0x1A740]  }
0x177: {  	v1 =	vld.idx.msk [tilespmem:v1+s3+$0x0], $0xffff;
	_ =	sdelay $0x4  }
0x178: {  	[tilespmem:s21+$0x1C730] =	vst v1;
	v1 =	vld [tilespmem:s21+$0x1A750];
	_ =	sdelay $0x1  }
0x179: {  	v0 =	vld.idx.msk [tilespmem:v0+s3+$0x0], $0xffff;
	_ =	sdelay $0x4  }
0x17a: {  	[tilespmem:s21+$0x1C740] =	vst v0;
	v0 =	vld [tilespmem:s21+$0x1A760]  }
0x17b: {  	v1 =	vld.idx.msk [tilespmem:v1+s3+$0x0], $0xffff;
	_ =	sdelay $0x4  }
0x17c: {  	[tilespmem:s21+$0x1C750] =	vst v1;
	v1 =	vld [tilespmem:s21+$0x1A770];
	_ =	sdelay $0x1  }
0x17d: {  	v0 =	vld.idx.msk [tilespmem:v0+s3+$0x0], $0xffff;
	_ =	sdelay $0x4  }
0x17e: {  	[tilespmem:s21+$0x1C760] =	vst v0;
	v0 =	vld [tilespmem:s21+$0x1A780]  }
0x17f: {  	v1 =	vld.idx.msk [tilespmem:v1+s3+$0x0], $0xffff;
	_ =	sdelay $0x4  }
0x180: {  	[tilespmem:s21+$0x1C770] =	vst v1;
	v1 =	vld [tilespmem:s21+$0x1A790];
	_ =	sdelay $0x1  }
0x181: {  	v0 =	vld.idx.msk [tilespmem:v0+s3+$0x0], $0xffff;
	_ =	sdelay $0x4  }
0x182: {  	[tilespmem:s21+$0x1C780] =	vst v0;
	v0 =	vld [tilespmem:s21+$0x1A7A0]  }
0x183: {  	v1 =	vld.idx.msk [tilespmem:v1+s3+$0x0], $0xffff;
	_ =	sdelay $0x4  }
0x184: {  	[tilespmem:s21+$0x1C790] =	vst v1;
	v1 =	vld [tilespmem:s21+$0x1A7B0];
	_ =	sdelay $0x1  }
0x185: {  	v0 =	vld.idx.msk [tilespmem:v0+s3+$0x0], $0xffff;
	_ =	sdelay $0x4  }
0x186: {  	[tilespmem:s21+$0x1C7A0] =	vst v0;
	v0 =	vld [tilespmem:s21+$0x1A7C0]  }
0x187: {  	v1 =	vld.idx.msk [tilespmem:v1+s3+$0x0], $0xffff;
	_ =	sdelay $0x4  }
0x188: {  	[tilespmem:s21+$0x1C7B0] =	vst v1;
	v1 =	vld [tilespmem:s21+$0x1A7D0];
	_ =	sdelay $0x1  }
0x189: {  	v0 =	vld.idx.msk [tilespmem:v0+s3+$0x0], $0xffff;
	_ =	sdelay $0x4  }
0x18a: {  	v2 =	vld [tilespmem:s21+$0x1A7E0];
	[tilespmem:s21+$0x1C7C0] =	vst v0  }
0x18b: {  	v0 =	vld.idx.msk [tilespmem:v1+s3+$0x0], $0xffff;
	_ =	sdelay $0x4  }
0x18c: {  	[tilespmem:s21+$0x1C7D0] =	vst v0;
	v0 =	vld [tilespmem:s21+$0x1A7F0];
	_ =	sdelay $0x1  }
0x18d: {  	v1 =	vld.idx.msk [tilespmem:v2+s3+$0x0], $0xffff;
	_ =	sdelay $0x3  }
0x18e: {  	s22 =	simm.s32 $0x800;
	s23 =	simm.s32 $0x100  }
.LBB2_8:
0x18f: {  	p0 =	sne.s32 s22, $0x7C00;
	v2 =	vld [tilespmem:s23+$0x1A700];
	[tilespmem:s21+$0x1C7E0] =	vst v1  }
0x190: {  	v0 =	vld.idx.msk [tilespmem:v0+s3+$0x0], $0xffff;
	_ =	sdelay $0x5  }
0x191: {  	v1 =	vld [tilespmem:s23+$0x1A710];
	[tilespmem:s21+$0x1C7F0] =	vst v0;
	s21 =	smov.u32 s23  }
0x192: {  	v0 =	vld.idx.msk [tilespmem:v2+s3+$0x0], $0xffff;
	_ =	sdelay $0x5  }
0x193: {  	[tilespmem:s21+$0x1C700] =	vst v0;
	v0 =	vld [tilespmem:s21+$0x1A720]  }
0x194: {  	v1 =	vld.idx.msk [tilespmem:v1+s3+$0x0], $0xffff;
	_ =	sdelay $0x5  }
0x195: {  	[tilespmem:s21+$0x1C710] =	vst v1;
	v1 =	vld [tilespmem:s21+$0x1A730]  }
0x196: {  	v0 =	vld.idx.msk [tilespmem:v0+s3+$0x0], $0xffff;
	_ =	sdelay $0x5  }
0x197: {  	[tilespmem:s21+$0x1C720] =	vst v0;
	v0 =	vld [tilespmem:s21+$0x1A740]  }
0x198: {  	v1 =	vld.idx.msk [tilespmem:v1+s3+$0x0], $0xffff;
	_ =	sdelay $0x5  }
0x199: {  	[tilespmem:s21+$0x1C730] =	vst v1;
	v1 =	vld [tilespmem:s21+$0x1A750]  }
0x19a: {  	v0 =	vld.idx.msk [tilespmem:v0+s3+$0x0], $0xffff;
	_ =	sdelay $0x5  }
0x19b: {  	[tilespmem:s21+$0x1C740] =	vst v0;
	v0 =	vld [tilespmem:s21+$0x1A760]  }
0x19c: {  	v1 =	vld.idx.msk [tilespmem:v1+s3+$0x0], $0xffff;
	_ =	sdelay $0x5  }
0x19d: {  	[tilespmem:s21+$0x1C750] =	vst v1;
	v1 =	vld [tilespmem:s21+$0x1A770]  }
0x19e: {  	v0 =	vld.idx.msk [tilespmem:v0+s3+$0x0], $0xffff;
	_ =	sdelay $0x5  }
0x19f: {  	[tilespmem:s21+$0x1C760] =	vst v0;
	v0 =	vld [tilespmem:s21+$0x1A780]  }
0x1a0: {  	v1 =	vld.idx.msk [tilespmem:v1+s3+$0x0], $0xffff;
	_ =	sdelay $0x5  }
0x1a1: {  	[tilespmem:s21+$0x1C770] =	vst v1;
	v1 =	vld [tilespmem:s21+$0x1A790]  }
0x1a2: {  	v0 =	vld.idx.msk [tilespmem:v0+s3+$0x0], $0xffff;
	_ =	sdelay $0x5  }
0x1a3: {  	[tilespmem:s21+$0x1C780] =	vst v0;
	v0 =	vld [tilespmem:s21+$0x1A7A0]  }
0x1a4: {  	v1 =	vld.idx.msk [tilespmem:v1+s3+$0x0], $0xffff;
	_ =	sdelay $0x5  }
0x1a5: {  	[tilespmem:s21+$0x1C790] =	vst v1;
	v1 =	vld [tilespmem:s21+$0x1A7B0]  }
0x1a6: {  	v0 =	vld.idx.msk [tilespmem:v0+s3+$0x0], $0xffff;
	_ =	sdelay $0x5  }
0x1a7: {  	[tilespmem:s21+$0x1C7A0] =	vst v0;
	v0 =	vld [tilespmem:s21+$0x1A7C0]  }
0x1a8: {  	v1 =	vld.idx.msk [tilespmem:v1+s3+$0x0], $0xffff;
	_ =	sdelay $0x5  }
0x1a9: {  	[tilespmem:s21+$0x1C7B0] =	vst v1;
	v1 =	vld [tilespmem:s21+$0x1A7D0]  }
0x1aa: {  	v0 =	vld.idx.msk [tilespmem:v0+s3+$0x0], $0xffff;
	_ =	sdelay $0x5  }
0x1ab: {  	[tilespmem:s21+$0x1C7C0] =	vst v0;
	v2 =	vld [tilespmem:s21+$0x1A7E0]  }
0x1ac: {  	v0 =	vld.idx.msk [tilespmem:v1+s3+$0x0], $0xffff;
	_ =	sdelay $0x5  }
0x1ad: {  	[tilespmem:s21+$0x1C7D0] =	vst v0;
	v0 =	vld [tilespmem:s21+$0x1A7F0]  }
0x1ae: {  	v1 =	vld.idx.msk [tilespmem:v2+s3+$0x0], $0xffff  }
.Ltmp3:
0x1af: {  	(pc) =	sbr.rel @p0 .LBB2_8-.Ltmp3, $2  }
0x1b0: {  	_ =	sdelay $0x2  }
0x1b1: {  	s23 =	sshra.s32 s22, $0x2;
	s22 =	sadd.s32 $0x400, s22  }
0x1b2: {  	_ =	sdelay $0x1  }
0x1b3: {  	v2 =	vld [tilespmem:s23+$0x1A700]  }
0x1b4: {  	[tilespmem:s21+$0x1C7E0] =	vst v1  }
0x1b5: {  	v0 =	vld.idx.msk [tilespmem:v0+s3+$0x0], $0xffff;
	_ =	sdelay $0x3  }
0x1b6: {  	v1 =	vld [tilespmem:s23+$0x1A710]  }
0x1b7: {  	[tilespmem:s21+$0x1C7F0] =	vst v0  }
0x1b8: {  	v0 =	vld.idx.msk [tilespmem:v2+s3+$0x0], $0xffff;
	_ =	sdelay $0x3  }
0x1b9: {  	v50 =	vld [tilespmem:s23+$0x1A720]  }
0x1ba: {  	[tilespmem:s23+$0x1C700] =	vst v0  }
0x1bb: {  	v1 =	vld.idx.msk [tilespmem:v1+s3+$0x0], $0xffff;
	_ =	sdelay $0x3  }
0x1bc: {  	v51 =	vld [tilespmem:s23+$0x1A730]  }
0x1bd: {  	[tilespmem:s23+$0x1C710] =	vst v1  }
0x1be: {  	v0 =	vld.idx.msk [tilespmem:v50+s3+$0x0], $0xffff;
	_ =	sdelay $0x3  }
0x1bf: {  	v52 =	vld [tilespmem:s23+$0x1A740]  }
0x1c0: {  	[tilespmem:s23+$0x1C720] =	vst v0  }
0x1c1: {  	v1 =	vld.idx.msk [tilespmem:v51+s3+$0x0], $0xffff;
	_ =	sdelay $0x3  }
0x1c2: {  	v53 =	vld [tilespmem:s23+$0x1A750]  }
0x1c3: {  	[tilespmem:s23+$0x1C730] =	vst v1  }
0x1c4: {  	v0 =	vld.idx.msk [tilespmem:v52+s3+$0x0], $0xffff;
	_ =	sdelay $0x3  }
0x1c5: {  	v54 =	vld [tilespmem:s23+$0x1A760]  }
0x1c6: {  	[tilespmem:s23+$0x1C740] =	vst v0  }
0x1c7: {  	v1 =	vld.idx.msk [tilespmem:v53+s3+$0x0], $0xffff;
	_ =	sdelay $0x3  }
0x1c8: {  	v55 =	vld [tilespmem:s23+$0x1A770]  }
0x1c9: {  	[tilespmem:s23+$0x1C750] =	vst v1  }
0x1ca: {  	v0 =	vld.idx.msk [tilespmem:v54+s3+$0x0], $0xffff;
	_ =	sdelay $0x3  }
0x1cb: {  	v56 =	vld [tilespmem:s23+$0x1A780]  }
0x1cc: {  	[tilespmem:s23+$0x1C760] =	vst v0  }
0x1cd: {  	v1 =	vld.idx.msk [tilespmem:v55+s3+$0x0], $0xffff;
	_ =	sdelay $0x3  }
0x1ce: {  	v57 =	vld [tilespmem:s23+$0x1A790]  }
0x1cf: {  	[tilespmem:s23+$0x1C770] =	vst v1  }
0x1d0: {  	v0 =	vld.idx.msk [tilespmem:v56+s3+$0x0], $0xffff;
	_ =	sdelay $0x3  }
0x1d1: {  	v58 =	vld [tilespmem:s23+$0x1A7A0]  }
0x1d2: {  	[tilespmem:s23+$0x1C780] =	vst v0  }
0x1d3: {  	v1 =	vld.idx.msk [tilespmem:v57+s3+$0x0], $0xffff;
	_ =	sdelay $0x3  }
0x1d4: {  	v59 =	vld [tilespmem:s23+$0x1A7B0]  }
0x1d5: {  	[tilespmem:s23+$0x1C790] =	vst v1  }
0x1d6: {  	v0 =	vld.idx.msk [tilespmem:v58+s3+$0x0], $0xffff;
	_ =	sdelay $0x3  }
0x1d7: {  	v60 =	vld [tilespmem:s23+$0x1A7C0]  }
0x1d8: {  	[tilespmem:s23+$0x1C7A0] =	vst v0  }
0x1d9: {  	v1 =	vld.idx.msk [tilespmem:v59+s3+$0x0], $0xffff;
	_ =	sdelay $0x3  }
0x1da: {  	v61 =	vld [tilespmem:s23+$0x1A7D0]  }
0x1db: {  	[tilespmem:s23+$0x1C7B0] =	vst v1  }
0x1dc: {  	v0 =	vld.idx.msk [tilespmem:v60+s3+$0x0], $0xffff;
	_ =	sdelay $0x3  }
0x1dd: {  	v62 =	vld [tilespmem:s23+$0x1A7E0]  }
0x1de: {  	[tilespmem:s23+$0x1C7C0] =	vst v0  }
0x1df: {  	v1 =	vld.idx.msk [tilespmem:v61+s3+$0x0], $0xffff;
	_ =	sdelay $0x3  }
0x1e0: {  	v63 =	vld [tilespmem:s23+$0x1A7F0]  }
0x1e1: {  	[tilespmem:s23+$0x1C7D0] =	vst v1  }
0x1e2: {  	v0 =	vld.idx.msk [tilespmem:v62+s3+$0x0], $0xffff;
	_ =	sdelay $0x4  }
0x1e3: {  	[tilespmem:s23+$0x1C7E0] =	vst v0  }
0x1e4: {  	v0 =	vld.idx.msk [tilespmem:v63+s3+$0x0], $0xffff;
	_ =	sdelay $0x2  }
0x1e5: {  	s20 =	sadd.s32 $0x1, s20  }
0x1e6: {  	p0 =	sne.s32 s20, s11  }
.Ltmp4:
0x1e7: {  	[tilespmem:s23+$0x1C7F0] =	vst v0;
	(pc) =	sbr.rel @p0 .LBB2_1-.Ltmp4, $4  }
0x1e8: {  	[hbm4b:s10+s14] =	stream.strided.scatter [tilespmem:s18], [sflag:$0x3], $0x2000, s15, s14, $0x38;
	[tilespmem:$0x1E700] =	vst v63  }
0x1e9: {  	_ =	swait.ge [sflag:s19], $0x2000  }
0x1ea: {  	[sflag:s19] =	ssyncset.done $0x0  }
0x1eb: {  	[sflag:s19] =	ssyncadd.s32 $0xFFFFE000  }
0x1ec: {  	_ =	sfence.sel $0x180000  }
0x1ed: {  	[bflag:$0x0] =	sbarrier.arrive $0xFFFF  }
0x1ee: {  	p0 =	sne.s32 s2, $0x0;
	_ =	strace $0x90000047  }
0x1ef: {  	s0 =	sadd.s32 @!p0 $0x100000, s0;
	[bflag:$0x2] =	sbarrier.arrive $0xFFFF  }
0x1f0: {  	[sflag:s0] =	ssyncadd.tile.s32 @!p0 $0x1;
	_ =	shalt  }
.Lfunc_end2:
_tile_overlayer_lowered:
.L_overlay_start_2:
0x1f1: {  	(tag) =	ssettag $0x2  }
0x1f2: {  	s0 =	rddreg [dreg:$0x0];
	s2 =	stileid.u32  }
0x1f3: {  	s1 =	rddreg [dreg:$0x1];
	p0 =	sne.s32 s2, $0x0  }
0x1f4: {  	s3 =	rddreg [dreg:$0x2];
	[bflag:$0x3] =	sbarrier.arrive $0xFFFF;
	s2 =	simm.s32 @!p0 $0x1C03  }
0x1f5: {  	[timem:s3], [sflag:s2] =	dma.local @!p0 [hbm:s0], s1  }
0x1f6: {  	s0 =	simm.s32 @!p0 $0x3  }
0x1f7: {  	_ =	swait.ge @!p0 [sflag:s0], s1  }
0x1f8: {  	s1 =	ssub.s32 @!p0 $0x0, s1;
	[sflag:s0] =	ssyncset.done @!p0 $0x0  }
0x1f9: {  	[sflag:s0] =	ssyncadd.s32 @!p0 s1  }
0x1fa: {  	[bflag:$0x3] =	sbarrier.arrive $0xFFFF  }
0x1fb: {  	_ =	shalt  }

</sc_bundles>
